<compile_context>
chip_gen: v7x
topology: tpu7x:2x2x1
jax: 0.10.2.dev20260603
libtpu: 0.0.44.dev20260713+nightly
codegen_flags: <defaults>
</compile_context>

<pallas_src>
import functools

import jax
import jax.numpy as jnp
from jax import lax
from jax.experimental import pallas as pl
from jax.experimental.pallas import tpu as pltpu
from jax.experimental.pallas import tpu_sc as plsc


_CHUNK = 128


@functools.cache
def _build(num_idx: int, vocab: int, d: int):
    info = plsc.get_sparse_core_info()
    nw = info.num_cores * info.num_subcores
    ns = info.num_subcores
    nchunk = num_idx // (nw * _CHUNK)
    nbuf = 4
    nbufs = 2
    look = 2
    assert num_idx % (nw * _CHUNK) == 0
    assert nchunk % nbuf == 0 and nchunk > nbuf
    mesh = plsc.VectorSubcoreMesh(core_axis_name="c", subcore_axis_name="s")

    @functools.partial(
        pl.kernel,
        out_type=jax.ShapeDtypeStruct((num_idx, d), jnp.float32),
        mesh=mesh,
        scratch_types=[
            pltpu.VMEM((nchunk, _CHUNK), jnp.int32),
            pltpu.VMEM((nbuf, _CHUNK, d), jnp.float32),
            pltpu.VMEM_SHARED((ns, nbufs, _CHUNK, d), jnp.float32),
            [pltpu.SemaphoreType.DMA] * nbuf,
            [pltpu.SemaphoreType.DMA] * nbuf,
            [pltpu.SemaphoreType.DMA] * nbufs,
        ],
    )
    def emb(idx_hbm, table_hbm, out_hbm, idx_v, rows_v, rows_s, gsem, xsem, wsem):
        cid = lax.axis_index("c")
        sid = lax.axis_index("s")
        wid = sid * info.num_cores + cid
        base = wid * (nchunk * _CHUNK)
        pltpu.sync_copy(idx_hbm.at[wid], idx_v)

        def gather(j, b):
            pltpu.async_copy(table_hbm.at[idx_v.at[j]], rows_v.at[b], gsem[b])

        for j in range(look):
            gather(j, j)

        def outer(i, carry):
            j0 = i * nbuf
            for b in range(nbuf):
                j = j0 + b
                bg = (b + look) % nbuf
                bp = (b + nbuf - 1) % nbuf
                bs = b % nbufs
                bsp = (b + nbuf - 1) % nbufs

                @pl.when(j >= nbufs)
                def _():
                    pltpu.make_async_copy(
                        rows_s.at[sid, bs], out_hbm.at[pl.ds(base, _CHUNK)], wsem[bs]
                    ).wait()

                pltpu.make_async_copy(
                    table_hbm.at[idx_v.at[j]], rows_v.at[b], gsem[b]
                ).wait()
                pltpu.async_copy(rows_v.at[b], rows_s.at[sid, bs], xsem[b])

                @pl.when(j >= 1)
                def _():
                    pltpu.make_async_copy(
                        rows_v.at[bp], rows_s.at[sid, bsp], xsem[bp]
                    ).wait()
                    pltpu.async_copy(
                        rows_s.at[sid, bsp],
                        out_hbm.at[pl.ds(base + (j - 1) * _CHUNK, _CHUNK)],
                        wsem[bsp],
                    )

                @pl.when(j + look < nchunk)
                def _():
                    gather(j + look, bg)

            return carry

        lax.fori_loop(0, nchunk // nbuf, outer, 0)
        bl = (nchunk - 1) % nbuf
        bls = (nchunk - 1) % nbufs
        pltpu.make_async_copy(rows_v.at[bl], rows_s.at[sid, bls], xsem[bl]).wait()
        pltpu.async_copy(
            rows_s.at[sid, bls],
            out_hbm.at[pl.ds(base + (nchunk - 1) * _CHUNK, _CHUNK)],
            wsem[bls],
        )
        for b in range(nbufs):
            pltpu.make_async_copy(
                rows_s.at[sid, b], out_hbm.at[pl.ds(base, _CHUNK)], wsem[b]
            ).wait()

    return emb, nw, nchunk


def kernel(inputs, weight):
    b, t = inputs.shape
    vocab, d = weight.shape
    num_idx = b * t
    emb, nw, nchunk = _build(num_idx, vocab, d)
    idx = inputs.reshape(nw, nchunk, _CHUNK).astype(jnp.int32)
    out = emb(idx, weight)
    return out.reshape(b, t, d)

# --- scband reference (transcript-rebuilt; emitter-appended) ---
"""Pipeline reference for scband-feature-embedding-24653112279403 (READ-ONLY COPY).

The authoritative reference and input builder live on the scoring server;
editing this copy changes nothing except your own understanding.
"""

import jax, jax.numpy as jnp
import numpy as np


def setup_inputs(seed: int = 0) -> dict:
    key = jax.random.key(seed)
    k1, k2 = jax.random.split(key)
    inputs = jax.random.randint(k1, (4096, 200), 0, 100000, dtype=jnp.int64 if jax.config.jax_enable_x64 else jnp.int32)
    weight = jax.random.normal(k2, (100000, 128), dtype=jnp.float32) * 0.02
    return {"inputs": inputs, "weight": weight}


def reference(inputs, weight):
    # FeatureEmbedding.forward with output_size != 0: nn.Embedding lookup
    return jnp.take(weight, inputs, axis=0)

if __name__ == "__main__":
    import jax
    _d = setup_inputs()
    print(jax.jit(kernel)(*tuple(_d.values())))

</pallas_src>

<mosaic_0001>
#map = affine_map<(d0, d1) -> (0, 0, 0)>
#map1 = affine_map<(d0, d1) -> (0, 0)>
module attributes {stable_mosaic.version = 14 : i64} {
  func.func @emb(%arg0: i32, %arg1: i32, %arg2: memref<32x200x128xi32, #tpu.memory_space<hbm>>, %arg3: memref<100000x128xf32, #tpu.memory_space<hbm>>, %arg4: memref<819200x128xf32, #tpu.memory_space<hbm>>, %arg5: memref<200x128xi32, #tpu.memory_space<vmem>>, %arg6: memref<4x128x128xf32, #tpu.memory_space<vmem>>, %arg7: memref<16x2x128x128xf32, #tpu.memory_space<vmem_shared>>, %arg8: memref<!tpu.dma_semaphore, #tpu.memory_space<semaphore_mem>>, %arg9: memref<!tpu.dma_semaphore, #tpu.memory_space<semaphore_mem>>, %arg10: memref<!tpu.dma_semaphore, #tpu.memory_space<semaphore_mem>>, %arg11: memref<!tpu.dma_semaphore, #tpu.memory_space<semaphore_mem>>, %arg12: memref<!tpu.dma_semaphore, #tpu.memory_space<semaphore_mem>>, %arg13: memref<!tpu.dma_semaphore, #tpu.memory_space<semaphore_mem>>, %arg14: memref<!tpu.dma_semaphore, #tpu.memory_space<semaphore_mem>>, %arg15: memref<!tpu.dma_semaphore, #tpu.memory_space<semaphore_mem>>, %arg16: memref<!tpu.dma_semaphore, #tpu.memory_space<semaphore_mem>>, %arg17: memref<!tpu.dma_semaphore, #tpu.memory_space<semaphore_mem>>) attributes {dimension_semantics = [#tpu.dimension_semantics<core_parallel>, #tpu.dimension_semantics<subcore_parallel>], iteration_bounds = array<i64: 2, 16>, scalar_prefetch = 0 : i64, scratch_operands = 13 : i64, tpu.core_type = #tpu.core_type<sc_vector_subcore>, window_params = [{transform_indices = #map}, {transform_indices = #map1}, {transform_indices = #map1}]} {
    %mul3A = arith.constant 2 : i32
    %mul3A_0 = arith.muli %arg1, %mul3A : i32
    %add3A = arith.addi %mul3A_0, %arg0 : i32
    %mul3A_1 = arith.constant 25600 : i32
    %mul3A_2 = arith.muli %add3A, %mul3A_1 : i32
    "tpu.region"() ({
      %run_scoped3A = tpu.sem_alloc : memref<!tpu.dma_semaphore, #tpu.memory_space<semaphore_mem>>
      %dma_start3A_71 = arith.constant 0 : i32
      %dma_start3A_72 = arith.constant 0 : i32
      %dma_start3A_73 = tpu.memref_slice %arg2[%add3A, %dma_start3A_71, %dma_start3A_72] : memref<32x200x128xi32, #tpu.memory_space<hbm>> -> memref<1x200x128xi32, #tpu.memory_space<hbm>>
      %dma_start3A_74 = tpu.memref_squeeze %dma_start3A_73 : memref<1x200x128xi32, #tpu.memory_space<hbm>> -> memref<200x128xi32, #tpu.memory_space<hbm>>
      %dma_start3A_75 = arith.constant 0 : i32
      %dma_start3A_76 = arith.constant 0 : i32
      %dma_start3A_77 = tpu.memref_slice %arg2[%add3A, %dma_start3A_75, %dma_start3A_76] : memref<32x200x128xi32, #tpu.memory_space<hbm>> -> memref<1x200x128xi32, #tpu.memory_space<hbm>>
      %dma_start3A_78 = tpu.memref_squeeze %dma_start3A_77 : memref<1x200x128xi32, #tpu.memory_space<hbm>> -> memref<200x128xi32, #tpu.memory_space<hbm>>
      tpu.enqueue_dma source(%dma_start3A_78 : memref<200x128xi32, #tpu.memory_space<hbm>>) target(%arg5 : memref<200x128xi32, #tpu.memory_space<vmem>>) target_semaphore(%run_scoped3A : memref<!tpu.dma_semaphore, #tpu.memory_space<semaphore_mem>>)
      %dma_wait3A_79 = arith.constant 0 : i32
      %dma_wait3A_80 = arith.constant 0 : i32
      %dma_wait3A_81 = tpu.memref_slice %arg2[%add3A, %dma_wait3A_79, %dma_wait3A_80] : memref<32x200x128xi32, #tpu.memory_space<hbm>> -> memref<1x200x128xi32, #tpu.memory_space<hbm>>
      %dma_wait3A_82 = tpu.memref_squeeze %dma_wait3A_81 : memref<1x200x128xi32, #tpu.memory_space<hbm>> -> memref<200x128xi32, #tpu.memory_space<hbm>>
      %dma_wait3A_83 = arith.constant 0 : i32
      %dma_wait3A_84 = arith.constant 0 : i32
      %dma_wait3A_85 = tpu.memref_slice %arg2[%add3A, %dma_wait3A_83, %dma_wait3A_84] : memref<32x200x128xi32, #tpu.memory_space<hbm>> -> memref<1x200x128xi32, #tpu.memory_space<hbm>>
      %dma_wait3A_86 = tpu.memref_squeeze %dma_wait3A_85 : memref<1x200x128xi32, #tpu.memory_space<hbm>> -> memref<200x128xi32, #tpu.memory_space<hbm>>
      tpu.wait_dma2 semaphore(%run_scoped3A : memref<!tpu.dma_semaphore, #tpu.memory_space<semaphore_mem>>) src(%dma_wait3A_86 : memref<200x128xi32, #tpu.memory_space<hbm>>) dst(%arg5 : memref<200x128xi32, #tpu.memory_space<vmem>>)
      tpu.yield
    }) : () -> ()
    %dma_start3A = arith.constant 0 : i32
    %dma_start3A_3 = arith.constant 0 : i32
    %dma_start3A_4 = arith.constant 0 : i32
    %dma_start3A_5 = arith.constant 0 : i32
    %dma_start3A_6 = tpu.memref_slice %arg6[%dma_start3A_3, %dma_start3A_4, %dma_start3A_5] : memref<4x128x128xf32, #tpu.memory_space<vmem>> -> memref<1x128x128xf32, #tpu.memory_space<vmem>>
    %dma_start3A_7 = tpu.memref_squeeze %dma_start3A_6 : memref<1x128x128xf32, #tpu.memory_space<vmem>> -> memref<128x128xf32, #tpu.memory_space<vmem>>
    %dma_start3A_8 = arith.constant 0 : i32
    %dma_start3A_9 = tpu.memref_slice %arg5[%dma_start3A, %dma_start3A_8] : memref<200x128xi32, #tpu.memory_space<vmem>> -> memref<1x128xi32, #tpu.memory_space<vmem>>
    %dma_start3A_10 = tpu.memref_squeeze %dma_start3A_9 : memref<1x128xi32, #tpu.memory_space<vmem>> -> memref<128xi32, #tpu.memory_space<vmem>>
    %dma_start3A_11 = arith.constant 0 : i32
    %dma_start3A_12 = arith.constant 0 : i32
    %dma_start3A_13 = tpu.memref_slice %arg3[%dma_start3A_11, %dma_start3A_12] : memref<100000x128xf32, #tpu.memory_space<hbm>> -> memref<100000x128xf32, #tpu.memory_space<hbm>>
    tpu.enqueue_indirect_dma source(%dma_start3A_13 : memref<100000x128xf32, #tpu.memory_space<hbm>>) target(%dma_start3A_7 : memref<128x128xf32, #tpu.memory_space<vmem>>) offsets(%dma_start3A_10 : memref<128xi32, #tpu.memory_space<vmem>>) semaphore(%arg8 : memref<!tpu.dma_semaphore, #tpu.memory_space<semaphore_mem>>)
    %dma_start3A_14 = arith.constant 1 : i32
    %dma_start3A_15 = arith.constant 1 : i32
    %dma_start3A_16 = arith.constant 0 : i32
    %dma_start3A_17 = arith.constant 0 : i32
    %dma_start3A_18 = tpu.memref_slice %arg6[%dma_start3A_15, %dma_start3A_16, %dma_start3A_17] : memref<4x128x128xf32, #tpu.memory_space<vmem>> -> memref<1x128x128xf32, #tpu.memory_space<vmem>>
    %dma_start3A_19 = tpu.memref_squeeze %dma_start3A_18 : memref<1x128x128xf32, #tpu.memory_space<vmem>> -> memref<128x128xf32, #tpu.memory_space<vmem>>
    %dma_start3A_20 = arith.constant 0 : i32
    %dma_start3A_21 = tpu.memref_slice %arg5[%dma_start3A_14, %dma_start3A_20] : memref<200x128xi32, #tpu.memory_space<vmem>> -> memref<1x128xi32, #tpu.memory_space<vmem>>
    %dma_start3A_22 = tpu.memref_squeeze %dma_start3A_21 : memref<1x128xi32, #tpu.memory_space<vmem>> -> memref<128xi32, #tpu.memory_space<vmem>>
    %dma_start3A_23 = arith.constant 0 : i32
    %dma_start3A_24 = arith.constant 0 : i32
    %dma_start3A_25 = tpu.memref_slice %arg3[%dma_start3A_23, %dma_start3A_24] : memref<100000x128xf32, #tpu.memory_space<hbm>> -> memref<100000x128xf32, #tpu.memory_space<hbm>>
    tpu.enqueue_indirect_dma source(%dma_start3A_25 : memref<100000x128xf32, #tpu.memory_space<hbm>>) target(%dma_start3A_19 : memref<128x128xf32, #tpu.memory_space<vmem>>) offsets(%dma_start3A_22 : memref<128xi32, #tpu.memory_space<vmem>>) semaphore(%arg9 : memref<!tpu.dma_semaphore, #tpu.memory_space<semaphore_mem>>)
    %scan3A = arith.constant 0 : i32
    %scan3A_26 = arith.constant 0 : i32
    %scan3A_27 = arith.constant 50 : i32
    %scan3A_28 = arith.addi %scan3A_26, %scan3A_27 : i32
    %scan3A_29 = arith.constant 1 : i32
    scf.for %scan3A_71 = %scan3A_26 to %scan3A_28 step %scan3A_29  : i32 {
      %mul3A_72 = arith.constant 4 : i32
      %mul3A_73 = arith.muli %scan3A_71, %mul3A_72 : i32
      %add3A_74 = arith.constant 0 : i32
      %add3A_75 = arith.addi %mul3A_73, %add3A_74 : i32
      %ge3A = arith.constant 2 : i32
      %ge3A_76 = arith.cmpi sge, %add3A_75, %ge3A : i32
      %convert_element_type3A = arith.extui %ge3A_76 : i1 to i32
      %cond3A = arith.constant 0 : i32
      %cond3A_77 = arith.cmpi ne, %convert_element_type3A, %cond3A : i32
      scf.if %cond3A_77 {
        %dma_wait3A_262 = arith.constant 0 : i32
        %dma_wait3A_263 = arith.constant 0 : i32
        %dma_wait3A_264 = tpu.memref_slice %arg4[%mul3A_2, %dma_wait3A_263] : memref<819200x128xf32, #tpu.memory_space<hbm>> -> memref<128x128xf32, #tpu.memory_space<hbm>>
        %dma_wait3A_265 = arith.constant 0 : i32
        %dma_wait3A_266 = arith.constant 0 : i32
        %dma_wait3A_267 = tpu.memref_slice %arg7[%arg1, %dma_wait3A_262, %dma_wait3A_265, %dma_wait3A_266] : memref<16x2x128x128xf32, #tpu.memory_space<vmem_shared>> -> memref<1x1x128x128xf32, #tpu.memory_space<vmem_shared>>
        %dma_wait3A_268 = tpu.memref_squeeze %dma_wait3A_267 : memref<1x1x128x128xf32, #tpu.memory_space<vmem_shared>> -> memref<128x128xf32, #tpu.memory_space<vmem_shared>>
        tpu.wait_dma2 semaphore(%arg16 : memref<!tpu.dma_semaphore, #tpu.memory_space<semaphore_mem>>) src(%dma_wait3A_268 : memref<128x128xf32, #tpu.memory_space<vmem_shared>>) dst(%dma_wait3A_264 : memref<128x128xf32, #tpu.memory_space<hbm>>)
      } else {
      }
      %dma_wait3A_78 = arith.constant 0 : i32
      %dma_wait3A_79 = arith.constant 0 : i32
      %dma_wait3A_80 = arith.constant 0 : i32
      %dma_wait3A_81 = tpu.memref_slice %arg6[%dma_wait3A_78, %dma_wait3A_79, %dma_wait3A_80] : memref<4x128x128xf32, #tpu.memory_space<vmem>> -> memref<1x128x128xf32, #tpu.memory_space<vmem>>
      %dma_wait3A_82 = tpu.memref_squeeze %dma_wait3A_81 : memref<1x128x128xf32, #tpu.memory_space<vmem>> -> memref<128x128xf32, #tpu.memory_space<vmem>>
      %dma_wait3A_83 = arith.constant 0 : i32
      %dma_wait3A_84 = tpu.memref_slice %arg5[%add3A_75, %dma_wait3A_83] : memref<200x128xi32, #tpu.memory_space<vmem>> -> memref<1x128xi32, #tpu.memory_space<vmem>>
      %dma_wait3A_85 = tpu.memref_squeeze %dma_wait3A_84 : memref<1x128xi32, #tpu.memory_space<vmem>> -> memref<128xi32, #tpu.memory_space<vmem>>
      %dma_wait3A_86 = arith.constant 0 : i32
      %dma_wait3A_87 = arith.constant 0 : i32
      %dma_wait3A_88 = tpu.memref_slice %arg3[%dma_wait3A_86, %dma_wait3A_87] : memref<100000x128xf32, #tpu.memory_space<hbm>> -> memref<100000x128xf32, #tpu.memory_space<hbm>>
      tpu.wait_indirect_dma semaphore(%arg8 : memref<!tpu.dma_semaphore, #tpu.memory_space<semaphore_mem>>) src(%dma_wait3A_88 : memref<100000x128xf32, #tpu.memory_space<hbm>>) dst(%dma_wait3A_82 : memref<128x128xf32, #tpu.memory_space<vmem>>)
      %dma_start3A_89 = arith.constant 0 : i32
      %dma_start3A_90 = arith.constant 0 : i32
      %dma_start3A_91 = arith.constant 0 : i32
      %dma_start3A_92 = arith.constant 0 : i32
      %dma_start3A_93 = tpu.memref_slice %arg6[%dma_start3A_89, %dma_start3A_91, %dma_start3A_92] : memref<4x128x128xf32, #tpu.memory_space<vmem>> -> memref<1x128x128xf32, #tpu.memory_space<vmem>>
      %dma_start3A_94 = tpu.memref_squeeze %dma_start3A_93 : memref<1x128x128xf32, #tpu.memory_space<vmem>> -> memref<128x128xf32, #tpu.memory_space<vmem>>
      %dma_start3A_95 = arith.constant 0 : i32
      %dma_start3A_96 = arith.constant 0 : i32
      %dma_start3A_97 = tpu.memref_slice %arg7[%arg1, %dma_start3A_90, %dma_start3A_95, %dma_start3A_96] : memref<16x2x128x128xf32, #tpu.memory_space<vmem_shared>> -> memref<1x1x128x128xf32, #tpu.memory_space<vmem_shared>>
      %dma_start3A_98 = tpu.memref_squeeze %dma_start3A_97 : memref<1x1x128x128xf32, #tpu.memory_space<vmem_shared>> -> memref<128x128xf32, #tpu.memory_space<vmem_shared>>
      %dma_start3A_99 = arith.constant 0 : i32
      %dma_start3A_100 = arith.constant 0 : i32
      %dma_start3A_101 = tpu.memref_slice %arg7[%arg1, %dma_start3A_90, %dma_start3A_99, %dma_start3A_100] : memref<16x2x128x128xf32, #tpu.memory_space<vmem_shared>> -> memref<1x1x128x128xf32, #tpu.memory_space<vmem_shared>>
      %dma_start3A_102 = tpu.memref_squeeze %dma_start3A_101 : memref<1x1x128x128xf32, #tpu.memory_space<vmem_shared>> -> memref<128x128xf32, #tpu.memory_space<vmem_shared>>
      %dma_start3A_103 = arith.constant 0 : i32
      %dma_start3A_104 = arith.constant 0 : i32
      %dma_start3A_105 = tpu.memref_slice %arg6[%dma_start3A_89, %dma_start3A_103, %dma_start3A_104] : memref<4x128x128xf32, #tpu.memory_space<vmem>> -> memref<1x128x128xf32, #tpu.memory_space<vmem>>
      %dma_start3A_106 = tpu.memref_squeeze %dma_start3A_105 : memref<1x128x128xf32, #tpu.memory_space<vmem>> -> memref<128x128xf32, #tpu.memory_space<vmem>>
      tpu.enqueue_dma source(%dma_start3A_106 : memref<128x128xf32, #tpu.memory_space<vmem>>) target(%dma_start3A_102 : memref<128x128xf32, #tpu.memory_space<vmem_shared>>) target_semaphore(%arg12 : memref<!tpu.dma_semaphore, #tpu.memory_space<semaphore_mem>>)
      %ge3A_107 = arith.constant 1 : i32
      %ge3A_108 = arith.cmpi sge, %add3A_75, %ge3A_107 : i32
      %convert_element_type3A_109 = arith.extui %ge3A_108 : i1 to i32
      %cond3A_110 = arith.constant 0 : i32
      %cond3A_111 = arith.cmpi ne, %convert_element_type3A_109, %cond3A_110 : i32
      scf.if %cond3A_111 {
        %dma_wait3A_262 = arith.constant 3 : i32
        %dma_wait3A_263 = arith.constant 1 : i32
        %dma_wait3A_264 = arith.constant 0 : i32
        %dma_wait3A_265 = arith.constant 0 : i32
        %dma_wait3A_266 = tpu.memref_slice %arg6[%dma_wait3A_262, %dma_wait3A_264, %dma_wait3A_265] : memref<4x128x128xf32, #tpu.memory_space<vmem>> -> memref<1x128x128xf32, #tpu.memory_space<vmem>>
        %dma_wait3A_267 = tpu.memref_squeeze %dma_wait3A_266 : memref<1x128x128xf32, #tpu.memory_space<vmem>> -> memref<128x128xf32, #tpu.memory_space<vmem>>
        %dma_wait3A_268 = arith.constant 0 : i32
        %dma_wait3A_269 = arith.constant 0 : i32
        %dma_wait3A_270 = tpu.memref_slice %arg7[%arg1, %dma_wait3A_263, %dma_wait3A_268, %dma_wait3A_269] : memref<16x2x128x128xf32, #tpu.memory_space<vmem_shared>> -> memref<1x1x128x128xf32, #tpu.memory_space<vmem_shared>>
        %dma_wait3A_271 = tpu.memref_squeeze %dma_wait3A_270 : memref<1x1x128x128xf32, #tpu.memory_space<vmem_shared>> -> memref<128x128xf32, #tpu.memory_space<vmem_shared>>
        %dma_wait3A_272 = arith.constant 0 : i32
        %dma_wait3A_273 = arith.constant 0 : i32
        %dma_wait3A_274 = tpu.memref_slice %arg7[%arg1, %dma_wait3A_263, %dma_wait3A_272, %dma_wait3A_273] : memref<16x2x128x128xf32, #tpu.memory_space<vmem_shared>> -> memref<1x1x128x128xf32, #tpu.memory_space<vmem_shared>>
        %dma_wait3A_275 = tpu.memref_squeeze %dma_wait3A_274 : memref<1x1x128x128xf32, #tpu.memory_space<vmem_shared>> -> memref<128x128xf32, #tpu.memory_space<vmem_shared>>
        %dma_wait3A_276 = arith.constant 0 : i32
        %dma_wait3A_277 = arith.constant 0 : i32
        %dma_wait3A_278 = tpu.memref_slice %arg6[%dma_wait3A_262, %dma_wait3A_276, %dma_wait3A_277] : memref<4x128x128xf32, #tpu.memory_space<vmem>> -> memref<1x128x128xf32, #tpu.memory_space<vmem>>
        %dma_wait3A_279 = tpu.memref_squeeze %dma_wait3A_278 : memref<1x128x128xf32, #tpu.memory_space<vmem>> -> memref<128x128xf32, #tpu.memory_space<vmem>>
        tpu.wait_dma2 semaphore(%arg15 : memref<!tpu.dma_semaphore, #tpu.memory_space<semaphore_mem>>) src(%dma_wait3A_279 : memref<128x128xf32, #tpu.memory_space<vmem>>) dst(%dma_wait3A_275 : memref<128x128xf32, #tpu.memory_space<vmem_shared>>)
        %sub3A = arith.constant 1 : i32
        %sub3A_280 = arith.subi %add3A_75, %sub3A : i32
        %mul3A_281 = arith.constant 128 : i32
        %mul3A_282 = arith.muli %sub3A_280, %mul3A_281 : i32
        %add3A_283 = arith.addi %mul3A_2, %mul3A_282 : i32
        %dma_start3A_284 = arith.constant 1 : i32
        %dma_start3A_285 = arith.constant 0 : i32
        %dma_start3A_286 = tpu.memref_slice %arg4[%add3A_283, %dma_start3A_285] : memref<819200x128xf32, #tpu.memory_space<hbm>> -> memref<128x128xf32, #tpu.memory_space<hbm>>
        %dma_start3A_287 = arith.constant 0 : i32
        %dma_start3A_288 = arith.constant 0 : i32
        %dma_start3A_289 = tpu.memref_slice %arg7[%arg1, %dma_start3A_284, %dma_start3A_287, %dma_start3A_288] : memref<16x2x128x128xf32, #tpu.memory_space<vmem_shared>> -> memref<1x1x128x128xf32, #tpu.memory_space<vmem_shared>>
        %dma_start3A_290 = tpu.memref_squeeze %dma_start3A_289 : memref<1x1x128x128xf32, #tpu.memory_space<vmem_shared>> -> memref<128x128xf32, #tpu.memory_space<vmem_shared>>
        tpu.enqueue_dma source(%dma_start3A_290 : memref<128x128xf32, #tpu.memory_space<vmem_shared>>) target(%dma_start3A_286 : memref<128x128xf32, #tpu.memory_space<hbm>>) target_semaphore(%arg17 : memref<!tpu.dma_semaphore, #tpu.memory_space<semaphore_mem>>)
      } else {
      }
      %add3A_112 = arith.constant 2 : i32
      %add3A_113 = arith.addi %add3A_75, %add3A_112 : i32
      %lt3A = arith.constant 200 : i32
      %lt3A_114 = arith.cmpi slt, %add3A_113, %lt3A : i32
      %convert_element_type3A_115 = arith.extui %lt3A_114 : i1 to i32
      %cond3A_116 = arith.constant 0 : i32
      %cond3A_117 = arith.cmpi ne, %convert_element_type3A_115, %cond3A_116 : i32
      scf.if %cond3A_117 {
        %add3A_262 = arith.constant 2 : i32
        %add3A_263 = arith.addi %add3A_75, %add3A_262 : i32
        %dma_start3A_264 = arith.constant 2 : i32
        %dma_start3A_265 = arith.constant 0 : i32
        %dma_start3A_266 = arith.constant 0 : i32
        %dma_start3A_267 = tpu.memref_slice %arg6[%dma_start3A_264, %dma_start3A_265, %dma_start3A_266] : memref<4x128x128xf32, #tpu.memory_space<vmem>> -> memref<1x128x128xf32, #tpu.memory_space<vmem>>
        %dma_start3A_268 = tpu.memref_squeeze %dma_start3A_267 : memref<1x128x128xf32, #tpu.memory_space<vmem>> -> memref<128x128xf32, #tpu.memory_space<vmem>>
        %dma_start3A_269 = arith.constant 0 : i32
        %dma_start3A_270 = tpu.memref_slice %arg5[%add3A_263, %dma_start3A_269] : memref<200x128xi32, #tpu.memory_space<vmem>> -> memref<1x128xi32, #tpu.memory_space<vmem>>
        %dma_start3A_271 = tpu.memref_squeeze %dma_start3A_270 : memref<1x128xi32, #tpu.memory_space<vmem>> -> memref<128xi32, #tpu.memory_space<vmem>>
        %dma_start3A_272 = arith.constant 0 : i32
        %dma_start3A_273 = arith.constant 0 : i32
        %dma_start3A_274 = tpu.memref_slice %arg3[%dma_start3A_272, %dma_start3A_273] : memref<100000x128xf32, #tpu.memory_space<hbm>> -> memref<100000x128xf32, #tpu.memory_space<hbm>>
        tpu.enqueue_indirect_dma source(%dma_start3A_274 : memref<100000x128xf32, #tpu.memory_space<hbm>>) target(%dma_start3A_268 : memref<128x128xf32, #tpu.memory_space<vmem>>) offsets(%dma_start3A_271 : memref<128xi32, #tpu.memory_space<vmem>>) semaphore(%arg10 : memref<!tpu.dma_semaphore, #tpu.memory_space<semaphore_mem>>)
      } else {
      }
      %add3A_118 = arith.constant 1 : i32
      %add3A_119 = arith.addi %mul3A_73, %add3A_118 : i32
      %ge3A_120 = arith.constant 2 : i32
      %ge3A_121 = arith.cmpi sge, %add3A_119, %ge3A_120 : i32
      %convert_element_type3A_122 = arith.extui %ge3A_121 : i1 to i32
      %cond3A_123 = arith.constant 0 : i32
      %cond3A_124 = arith.cmpi ne, %convert_element_type3A_122, %cond3A_123 : i32
      scf.if %cond3A_124 {
        %dma_wait3A_262 = arith.constant 1 : i32
        %dma_wait3A_263 = arith.constant 0 : i32
        %dma_wait3A_264 = tpu.memref_slice %arg4[%mul3A_2, %dma_wait3A_263] : memref<819200x128xf32, #tpu.memory_space<hbm>> -> memref<128x128xf32, #tpu.memory_space<hbm>>
        %dma_wait3A_265 = arith.constant 0 : i32
        %dma_wait3A_266 = arith.constant 0 : i32
        %dma_wait3A_267 = tpu.memref_slice %arg7[%arg1, %dma_wait3A_262, %dma_wait3A_265, %dma_wait3A_266] : memref<16x2x128x128xf32, #tpu.memory_space<vmem_shared>> -> memref<1x1x128x128xf32, #tpu.memory_space<vmem_shared>>
        %dma_wait3A_268 = tpu.memref_squeeze %dma_wait3A_267 : memref<1x1x128x128xf32, #tpu.memory_space<vmem_shared>> -> memref<128x128xf32, #tpu.memory_space<vmem_shared>>
        tpu.wait_dma2 semaphore(%arg17 : memref<!tpu.dma_semaphore, #tpu.memory_space<semaphore_mem>>) src(%dma_wait3A_268 : memref<128x128xf32, #tpu.memory_space<vmem_shared>>) dst(%dma_wait3A_264 : memref<128x128xf32, #tpu.memory_space<hbm>>)
      } else {
      }
      %dma_wait3A_125 = arith.constant 1 : i32
      %dma_wait3A_126 = arith.constant 0 : i32
      %dma_wait3A_127 = arith.constant 0 : i32
      %dma_wait3A_128 = tpu.memref_slice %arg6[%dma_wait3A_125, %dma_wait3A_126, %dma_wait3A_127] : memref<4x128x128xf32, #tpu.memory_space<vmem>> -> memref<1x128x128xf32, #tpu.memory_space<vmem>>
      %dma_wait3A_129 = tpu.memref_squeeze %dma_wait3A_128 : memref<1x128x128xf32, #tpu.memory_space<vmem>> -> memref<128x128xf32, #tpu.memory_space<vmem>>
      %dma_wait3A_130 = arith.constant 0 : i32
      %dma_wait3A_131 = tpu.memref_slice %arg5[%add3A_119, %dma_wait3A_130] : memref<200x128xi32, #tpu.memory_space<vmem>> -> memref<1x128xi32, #tpu.memory_space<vmem>>
      %dma_wait3A_132 = tpu.memref_squeeze %dma_wait3A_131 : memref<1x128xi32, #tpu.memory_space<vmem>> -> memref<128xi32, #tpu.memory_space<vmem>>
      %dma_wait3A_133 = arith.constant 0 : i32
      %dma_wait3A_134 = arith.constant 0 : i32
      %dma_wait3A_135 = tpu.memref_slice %arg3[%dma_wait3A_133, %dma_wait3A_134] : memref<100000x128xf32, #tpu.memory_space<hbm>> -> memref<100000x128xf32, #tpu.memory_space<hbm>>
      tpu.wait_indirect_dma semaphore(%arg9 : memref<!tpu.dma_semaphore, #tpu.memory_space<semaphore_mem>>) src(%dma_wait3A_135 : memref<100000x128xf32, #tpu.memory_space<hbm>>) dst(%dma_wait3A_129 : memref<128x128xf32, #tpu.memory_space<vmem>>)
      %dma_start3A_136 = arith.constant 1 : i32
      %dma_start3A_137 = arith.constant 1 : i32
      %dma_start3A_138 = arith.constant 0 : i32
      %dma_start3A_139 = arith.constant 0 : i32
      %dma_start3A_140 = tpu.memref_slice %arg6[%dma_start3A_136, %dma_start3A_138, %dma_start3A_139] : memref<4x128x128xf32, #tpu.memory_space<vmem>> -> memref<1x128x128xf32, #tpu.memory_space<vmem>>
      %dma_start3A_141 = tpu.memref_squeeze %dma_start3A_140 : memref<1x128x128xf32, #tpu.memory_space<vmem>> -> memref<128x128xf32, #tpu.memory_space<vmem>>
      %dma_start3A_142 = arith.constant 0 : i32
      %dma_start3A_143 = arith.constant 0 : i32
      %dma_start3A_144 = tpu.memref_slice %arg7[%arg1, %dma_start3A_137, %dma_start3A_142, %dma_start3A_143] : memref<16x2x128x128xf32, #tpu.memory_space<vmem_shared>> -> memref<1x1x128x128xf32, #tpu.memory_space<vmem_shared>>
      %dma_start3A_145 = tpu.memref_squeeze %dma_start3A_144 : memref<1x1x128x128xf32, #tpu.memory_space<vmem_shared>> -> memref<128x128xf32, #tpu.memory_space<vmem_shared>>
      %dma_start3A_146 = arith.constant 0 : i32
      %dma_start3A_147 = arith.constant 0 : i32
      %dma_start3A_148 = tpu.memref_slice %arg7[%arg1, %dma_start3A_137, %dma_start3A_146, %dma_start3A_147] : memref<16x2x128x128xf32, #tpu.memory_space<vmem_shared>> -> memref<1x1x128x128xf32, #tpu.memory_space<vmem_shared>>
      %dma_start3A_149 = tpu.memref_squeeze %dma_start3A_148 : memref<1x1x128x128xf32, #tpu.memory_space<vmem_shared>> -> memref<128x128xf32, #tpu.memory_space<vmem_shared>>
      %dma_start3A_150 = arith.constant 0 : i32
      %dma_start3A_151 = arith.constant 0 : i32
      %dma_start3A_152 = tpu.memref_slice %arg6[%dma_start3A_136, %dma_start3A_150, %dma_start3A_151] : memref<4x128x128xf32, #tpu.memory_space<vmem>> -> memref<1x128x128xf32, #tpu.memory_space<vmem>>
      %dma_start3A_153 = tpu.memref_squeeze %dma_start3A_152 : memref<1x128x128xf32, #tpu.memory_space<vmem>> -> memref<128x128xf32, #tpu.memory_space<vmem>>
      tpu.enqueue_dma source(%dma_start3A_153 : memref<128x128xf32, #tpu.memory_space<vmem>>) target(%dma_start3A_149 : memref<128x128xf32, #tpu.memory_space<vmem_shared>>) target_semaphore(%arg13 : memref<!tpu.dma_semaphore, #tpu.memory_space<semaphore_mem>>)
      %ge3A_154 = arith.constant 1 : i32
      %ge3A_155 = arith.cmpi sge, %add3A_119, %ge3A_154 : i32
      %convert_element_type3A_156 = arith.extui %ge3A_155 : i1 to i32
      %cond3A_157 = arith.constant 0 : i32
      %cond3A_158 = arith.cmpi ne, %convert_element_type3A_156, %cond3A_157 : i32
      scf.if %cond3A_158 {
        %dma_wait3A_262 = arith.constant 0 : i32
        %dma_wait3A_263 = arith.constant 0 : i32
        %dma_wait3A_264 = arith.constant 0 : i32
        %dma_wait3A_265 = arith.constant 0 : i32
        %dma_wait3A_266 = tpu.memref_slice %arg6[%dma_wait3A_262, %dma_wait3A_264, %dma_wait3A_265] : memref<4x128x128xf32, #tpu.memory_space<vmem>> -> memref<1x128x128xf32, #tpu.memory_space<vmem>>
        %dma_wait3A_267 = tpu.memref_squeeze %dma_wait3A_266 : memref<1x128x128xf32, #tpu.memory_space<vmem>> -> memref<128x128xf32, #tpu.memory_space<vmem>>
        %dma_wait3A_268 = arith.constant 0 : i32
        %dma_wait3A_269 = arith.constant 0 : i32
        %dma_wait3A_270 = tpu.memref_slice %arg7[%arg1, %dma_wait3A_263, %dma_wait3A_268, %dma_wait3A_269] : memref<16x2x128x128xf32, #tpu.memory_space<vmem_shared>> -> memref<1x1x128x128xf32, #tpu.memory_space<vmem_shared>>
        %dma_wait3A_271 = tpu.memref_squeeze %dma_wait3A_270 : memref<1x1x128x128xf32, #tpu.memory_space<vmem_shared>> -> memref<128x128xf32, #tpu.memory_space<vmem_shared>>
        %dma_wait3A_272 = arith.constant 0 : i32
        %dma_wait3A_273 = arith.constant 0 : i32
        %dma_wait3A_274 = tpu.memref_slice %arg7[%arg1, %dma_wait3A_263, %dma_wait3A_272, %dma_wait3A_273] : memref<16x2x128x128xf32, #tpu.memory_space<vmem_shared>> -> memref<1x1x128x128xf32, #tpu.memory_space<vmem_shared>>
        %dma_wait3A_275 = tpu.memref_squeeze %dma_wait3A_274 : memref<1x1x128x128xf32, #tpu.memory_space<vmem_shared>> -> memref<128x128xf32, #tpu.memory_space<vmem_shared>>
        %dma_wait3A_276 = arith.constant 0 : i32
        %dma_wait3A_277 = arith.constant 0 : i32
        %dma_wait3A_278 = tpu.memref_slice %arg6[%dma_wait3A_262, %dma_wait3A_276, %dma_wait3A_277] : memref<4x128x128xf32, #tpu.memory_space<vmem>> -> memref<1x128x128xf32, #tpu.memory_space<vmem>>
        %dma_wait3A_279 = tpu.memref_squeeze %dma_wait3A_278 : memref<1x128x128xf32, #tpu.memory_space<vmem>> -> memref<128x128xf32, #tpu.memory_space<vmem>>
        tpu.wait_dma2 semaphore(%arg12 : memref<!tpu.dma_semaphore, #tpu.memory_space<semaphore_mem>>) src(%dma_wait3A_279 : memref<128x128xf32, #tpu.memory_space<vmem>>) dst(%dma_wait3A_275 : memref<128x128xf32, #tpu.memory_space<vmem_shared>>)
        %sub3A = arith.constant 1 : i32
        %sub3A_280 = arith.subi %add3A_119, %sub3A : i32
        %mul3A_281 = arith.constant 128 : i32
        %mul3A_282 = arith.muli %sub3A_280, %mul3A_281 : i32
        %add3A_283 = arith.addi %mul3A_2, %mul3A_282 : i32
        %dma_start3A_284 = arith.constant 0 : i32
        %dma_start3A_285 = arith.constant 0 : i32
        %dma_start3A_286 = tpu.memref_slice %arg4[%add3A_283, %dma_start3A_285] : memref<819200x128xf32, #tpu.memory_space<hbm>> -> memref<128x128xf32, #tpu.memory_space<hbm>>
        %dma_start3A_287 = arith.constant 0 : i32
        %dma_start3A_288 = arith.constant 0 : i32
        %dma_start3A_289 = tpu.memref_slice %arg7[%arg1, %dma_start3A_284, %dma_start3A_287, %dma_start3A_288] : memref<16x2x128x128xf32, #tpu.memory_space<vmem_shared>> -> memref<1x1x128x128xf32, #tpu.memory_space<vmem_shared>>
        %dma_start3A_290 = tpu.memref_squeeze %dma_start3A_289 : memref<1x1x128x128xf32, #tpu.memory_space<vmem_shared>> -> memref<128x128xf32, #tpu.memory_space<vmem_shared>>
        tpu.enqueue_dma source(%dma_start3A_290 : memref<128x128xf32, #tpu.memory_space<vmem_shared>>) target(%dma_start3A_286 : memref<128x128xf32, #tpu.memory_space<hbm>>) target_semaphore(%arg16 : memref<!tpu.dma_semaphore, #tpu.memory_space<semaphore_mem>>)
      } else {
      }
      %add3A_159 = arith.constant 2 : i32
      %add3A_160 = arith.addi %add3A_119, %add3A_159 : i32
      %lt3A_161 = arith.constant 200 : i32
      %lt3A_162 = arith.cmpi slt, %add3A_160, %lt3A_161 : i32
      %convert_element_type3A_163 = arith.extui %lt3A_162 : i1 to i32
      %cond3A_164 = arith.constant 0 : i32
      %cond3A_165 = arith.cmpi ne, %convert_element_type3A_163, %cond3A_164 : i32
      scf.if %cond3A_165 {
        %add3A_262 = arith.constant 2 : i32
        %add3A_263 = arith.addi %add3A_119, %add3A_262 : i32
        %dma_start3A_264 = arith.constant 3 : i32
        %dma_start3A_265 = arith.constant 0 : i32
        %dma_start3A_266 = arith.constant 0 : i32
        %dma_start3A_267 = tpu.memref_slice %arg6[%dma_start3A_264, %dma_start3A_265, %dma_start3A_266] : memref<4x128x128xf32, #tpu.memory_space<vmem>> -> memref<1x128x128xf32, #tpu.memory_space<vmem>>
        %dma_start3A_268 = tpu.memref_squeeze %dma_start3A_267 : memref<1x128x128xf32, #tpu.memory_space<vmem>> -> memref<128x128xf32, #tpu.memory_space<vmem>>
        %dma_start3A_269 = arith.constant 0 : i32
        %dma_start3A_270 = tpu.memref_slice %arg5[%add3A_263, %dma_start3A_269] : memref<200x128xi32, #tpu.memory_space<vmem>> -> memref<1x128xi32, #tpu.memory_space<vmem>>
        %dma_start3A_271 = tpu.memref_squeeze %dma_start3A_270 : memref<1x128xi32, #tpu.memory_space<vmem>> -> memref<128xi32, #tpu.memory_space<vmem>>
        %dma_start3A_272 = arith.constant 0 : i32
        %dma_start3A_273 = arith.constant 0 : i32
        %dma_start3A_274 = tpu.memref_slice %arg3[%dma_start3A_272, %dma_start3A_273] : memref<100000x128xf32, #tpu.memory_space<hbm>> -> memref<100000x128xf32, #tpu.memory_space<hbm>>
        tpu.enqueue_indirect_dma source(%dma_start3A_274 : memref<100000x128xf32, #tpu.memory_space<hbm>>) target(%dma_start3A_268 : memref<128x128xf32, #tpu.memory_space<vmem>>) offsets(%dma_start3A_271 : memref<128xi32, #tpu.memory_space<vmem>>) semaphore(%arg11 : memref<!tpu.dma_semaphore, #tpu.memory_space<semaphore_mem>>)
      } else {
      }
      %add3A_166 = arith.constant 2 : i32
      %add3A_167 = arith.addi %mul3A_73, %add3A_166 : i32
      %ge3A_168 = arith.constant 2 : i32
      %ge3A_169 = arith.cmpi sge, %add3A_167, %ge3A_168 : i32
      %convert_element_type3A_170 = arith.extui %ge3A_169 : i1 to i32
      %cond3A_171 = arith.constant 0 : i32
      %cond3A_172 = arith.cmpi ne, %convert_element_type3A_170, %cond3A_171 : i32
      scf.if %cond3A_172 {
        %dma_wait3A_262 = arith.constant 0 : i32
        %dma_wait3A_263 = arith.constant 0 : i32
        %dma_wait3A_264 = tpu.memref_slice %arg4[%mul3A_2, %dma_wait3A_263] : memref<819200x128xf32, #tpu.memory_space<hbm>> -> memref<128x128xf32, #tpu.memory_space<hbm>>
        %dma_wait3A_265 = arith.constant 0 : i32
        %dma_wait3A_266 = arith.constant 0 : i32
        %dma_wait3A_267 = tpu.memref_slice %arg7[%arg1, %dma_wait3A_262, %dma_wait3A_265, %dma_wait3A_266] : memref<16x2x128x128xf32, #tpu.memory_space<vmem_shared>> -> memref<1x1x128x128xf32, #tpu.memory_space<vmem_shared>>
        %dma_wait3A_268 = tpu.memref_squeeze %dma_wait3A_267 : memref<1x1x128x128xf32, #tpu.memory_space<vmem_shared>> -> memref<128x128xf32, #tpu.memory_space<vmem_shared>>
        tpu.wait_dma2 semaphore(%arg16 : memref<!tpu.dma_semaphore, #tpu.memory_space<semaphore_mem>>) src(%dma_wait3A_268 : memref<128x128xf32, #tpu.memory_space<vmem_shared>>) dst(%dma_wait3A_264 : memref<128x128xf32, #tpu.memory_space<hbm>>)
      } else {
      }
      %dma_wait3A_173 = arith.constant 2 : i32
      %dma_wait3A_174 = arith.constant 0 : i32
      %dma_wait3A_175 = arith.constant 0 : i32
      %dma_wait3A_176 = tpu.memref_slice %arg6[%dma_wait3A_173, %dma_wait3A_174, %dma_wait3A_175] : memref<4x128x128xf32, #tpu.memory_space<vmem>> -> memref<1x128x128xf32, #tpu.memory_space<vmem>>
      %dma_wait3A_177 = tpu.memref_squeeze %dma_wait3A_176 : memref<1x128x128xf32, #tpu.memory_space<vmem>> -> memref<128x128xf32, #tpu.memory_space<vmem>>
      %dma_wait3A_178 = arith.constant 0 : i32
      %dma_wait3A_179 = tpu.memref_slice %arg5[%add3A_167, %dma_wait3A_178] : memref<200x128xi32, #tpu.memory_space<vmem>> -> memref<1x128xi32, #tpu.memory_space<vmem>>
      %dma_wait3A_180 = tpu.memref_squeeze %dma_wait3A_179 : memref<1x128xi32, #tpu.memory_space<vmem>> -> memref<128xi32, #tpu.memory_space<vmem>>
      %dma_wait3A_181 = arith.constant 0 : i32
      %dma_wait3A_182 = arith.constant 0 : i32
      %dma_wait3A_183 = tpu.memref_slice %arg3[%dma_wait3A_181, %dma_wait3A_182] : memref<100000x128xf32, #tpu.memory_space<hbm>> -> memref<100000x128xf32, #tpu.memory_space<hbm>>
      tpu.wait_indirect_dma semaphore(%arg10 : memref<!tpu.dma_semaphore, #tpu.memory_space<semaphore_mem>>) src(%dma_wait3A_183 : memref<100000x128xf32, #tpu.memory_space<hbm>>) dst(%dma_wait3A_177 : memref<128x128xf32, #tpu.memory_space<vmem>>)
      %dma_start3A_184 = arith.constant 2 : i32
      %dma_start3A_185 = arith.constant 0 : i32
      %dma_start3A_186 = arith.constant 0 : i32
      %dma_start3A_187 = arith.constant 0 : i32
      %dma_start3A_188 = tpu.memref_slice %arg6[%dma_start3A_184, %dma_start3A_186, %dma_start3A_187] : memref<4x128x128xf32, #tpu.memory_space<vmem>> -> memref<1x128x128xf32, #tpu.memory_space<vmem>>
      %dma_start3A_189 = tpu.memref_squeeze %dma_start3A_188 : memref<1x128x128xf32, #tpu.memory_space<vmem>> -> memref<128x128xf32, #tpu.memory_space<vmem>>
      %dma_start3A_190 = arith.constant 0 : i32
      %dma_start3A_191 = arith.constant 0 : i32
      %dma_start3A_192 = tpu.memref_slice %arg7[%arg1, %dma_start3A_185, %dma_start3A_190, %dma_start3A_191] : memref<16x2x128x128xf32, #tpu.memory_space<vmem_shared>> -> memref<1x1x128x128xf32, #tpu.memory_space<vmem_shared>>
      %dma_start3A_193 = tpu.memref_squeeze %dma_start3A_192 : memref<1x1x128x128xf32, #tpu.memory_space<vmem_shared>> -> memref<128x128xf32, #tpu.memory_space<vmem_shared>>
      %dma_start3A_194 = arith.constant 0 : i32
      %dma_start3A_195 = arith.constant 0 : i32
      %dma_start3A_196 = tpu.memref_slice %arg7[%arg1, %dma_start3A_185, %dma_start3A_194, %dma_start3A_195] : memref<16x2x128x128xf32, #tpu.memory_space<vmem_shared>> -> memref<1x1x128x128xf32, #tpu.memory_space<vmem_shared>>
      %dma_start3A_197 = tpu.memref_squeeze %dma_start3A_196 : memref<1x1x128x128xf32, #tpu.memory_space<vmem_shared>> -> memref<128x128xf32, #tpu.memory_space<vmem_shared>>
      %dma_start3A_198 = arith.constant 0 : i32
      %dma_start3A_199 = arith.constant 0 : i32
      %dma_start3A_200 = tpu.memref_slice %arg6[%dma_start3A_184, %dma_start3A_198, %dma_start3A_199] : memref<4x128x128xf32, #tpu.memory_space<vmem>> -> memref<1x128x128xf32, #tpu.memory_space<vmem>>
      %dma_start3A_201 = tpu.memref_squeeze %dma_start3A_200 : memref<1x128x128xf32, #tpu.memory_space<vmem>> -> memref<128x128xf32, #tpu.memory_space<vmem>>
      tpu.enqueue_dma source(%dma_start3A_201 : memref<128x128xf32, #tpu.memory_space<vmem>>) target(%dma_start3A_197 : memref<128x128xf32, #tpu.memory_space<vmem_shared>>) target_semaphore(%arg14 : memref<!tpu.dma_semaphore, #tpu.memory_space<semaphore_mem>>)
      %ge3A_202 = arith.constant 1 : i32
      %ge3A_203 = arith.cmpi sge, %add3A_167, %ge3A_202 : i32
      %convert_element_type3A_204 = arith.extui %ge3A_203 : i1 to i32
      %cond3A_205 = arith.constant 0 : i32
      %cond3A_206 = arith.cmpi ne, %convert_element_type3A_204, %cond3A_205 : i32
      scf.if %cond3A_206 {
        %dma_wait3A_262 = arith.constant 1 : i32
        %dma_wait3A_263 = arith.constant 1 : i32
        %dma_wait3A_264 = arith.constant 0 : i32
        %dma_wait3A_265 = arith.constant 0 : i32
        %dma_wait3A_266 = tpu.memref_slice %arg6[%dma_wait3A_262, %dma_wait3A_264, %dma_wait3A_265] : memref<4x128x128xf32, #tpu.memory_space<vmem>> -> memref<1x128x128xf32, #tpu.memory_space<vmem>>
        %dma_wait3A_267 = tpu.memref_squeeze %dma_wait3A_266 : memref<1x128x128xf32, #tpu.memory_space<vmem>> -> memref<128x128xf32, #tpu.memory_space<vmem>>
        %dma_wait3A_268 = arith.constant 0 : i32
        %dma_wait3A_269 = arith.constant 0 : i32
        %dma_wait3A_270 = tpu.memref_slice %arg7[%arg1, %dma_wait3A_263, %dma_wait3A_268, %dma_wait3A_269] : memref<16x2x128x128xf32, #tpu.memory_space<vmem_shared>> -> memref<1x1x128x128xf32, #tpu.memory_space<vmem_shared>>
        %dma_wait3A_271 = tpu.memref_squeeze %dma_wait3A_270 : memref<1x1x128x128xf32, #tpu.memory_space<vmem_shared>> -> memref<128x128xf32, #tpu.memory_space<vmem_shared>>
        %dma_wait3A_272 = arith.constant 0 : i32
        %dma_wait3A_273 = arith.constant 0 : i32
        %dma_wait3A_274 = tpu.memref_slice %arg7[%arg1, %dma_wait3A_263, %dma_wait3A_272, %dma_wait3A_273] : memref<16x2x128x128xf32, #tpu.memory_space<vmem_shared>> -> memref<1x1x128x128xf32, #tpu.memory_space<vmem_shared>>
        %dma_wait3A_275 = tpu.memref_squeeze %dma_wait3A_274 : memref<1x1x128x128xf32, #tpu.memory_space<vmem_shared>> -> memref<128x128xf32, #tpu.memory_space<vmem_shared>>
        %dma_wait3A_276 = arith.constant 0 : i32
        %dma_wait3A_277 = arith.constant 0 : i32
        %dma_wait3A_278 = tpu.memref_slice %arg6[%dma_wait3A_262, %dma_wait3A_276, %dma_wait3A_277] : memref<4x128x128xf32, #tpu.memory_space<vmem>> -> memref<1x128x128xf32, #tpu.memory_space<vmem>>
        %dma_wait3A_279 = tpu.memref_squeeze %dma_wait3A_278 : memref<1x128x128xf32, #tpu.memory_space<vmem>> -> memref<128x128xf32, #tpu.memory_space<vmem>>
        tpu.wait_dma2 semaphore(%arg13 : memref<!tpu.dma_semaphore, #tpu.memory_space<semaphore_mem>>) src(%dma_wait3A_279 : memref<128x128xf32, #tpu.memory_space<vmem>>) dst(%dma_wait3A_275 : memref<128x128xf32, #tpu.memory_space<vmem_shared>>)
        %sub3A = arith.constant 1 : i32
        %sub3A_280 = arith.subi %add3A_167, %sub3A : i32
        %mul3A_281 = arith.constant 128 : i32
        %mul3A_282 = arith.muli %sub3A_280, %mul3A_281 : i32
        %add3A_283 = arith.addi %mul3A_2, %mul3A_282 : i32
        %dma_start3A_284 = arith.constant 1 : i32
        %dma_start3A_285 = arith.constant 0 : i32
        %dma_start3A_286 = tpu.memref_slice %arg4[%add3A_283, %dma_start3A_285] : memref<819200x128xf32, #tpu.memory_space<hbm>> -> memref<128x128xf32, #tpu.memory_space<hbm>>
        %dma_start3A_287 = arith.constant 0 : i32
        %dma_start3A_288 = arith.constant 0 : i32
        %dma_start3A_289 = tpu.memref_slice %arg7[%arg1, %dma_start3A_284, %dma_start3A_287, %dma_start3A_288] : memref<16x2x128x128xf32, #tpu.memory_space<vmem_shared>> -> memref<1x1x128x128xf32, #tpu.memory_space<vmem_shared>>
        %dma_start3A_290 = tpu.memref_squeeze %dma_start3A_289 : memref<1x1x128x128xf32, #tpu.memory_space<vmem_shared>> -> memref<128x128xf32, #tpu.memory_space<vmem_shared>>
        tpu.enqueue_dma source(%dma_start3A_290 : memref<128x128xf32, #tpu.memory_space<vmem_shared>>) target(%dma_start3A_286 : memref<128x128xf32, #tpu.memory_space<hbm>>) target_semaphore(%arg17 : memref<!tpu.dma_semaphore, #tpu.memory_space<semaphore_mem>>)
      } else {
      }
      %add3A_207 = arith.constant 2 : i32
      %add3A_208 = arith.addi %add3A_167, %add3A_207 : i32
      %lt3A_209 = arith.constant 200 : i32
      %lt3A_210 = arith.cmpi slt, %add3A_208, %lt3A_209 : i32
      %convert_element_type3A_211 = arith.extui %lt3A_210 : i1 to i32
      %cond3A_212 = arith.constant 0 : i32
      %cond3A_213 = arith.cmpi ne, %convert_element_type3A_211, %cond3A_212 : i32
      scf.if %cond3A_213 {
        %add3A_262 = arith.constant 2 : i32
        %add3A_263 = arith.addi %add3A_167, %add3A_262 : i32
        %dma_start3A_264 = arith.constant 0 : i32
        %dma_start3A_265 = arith.constant 0 : i32
        %dma_start3A_266 = arith.constant 0 : i32
        %dma_start3A_267 = tpu.memref_slice %arg6[%dma_start3A_264, %dma_start3A_265, %dma_start3A_266] : memref<4x128x128xf32, #tpu.memory_space<vmem>> -> memref<1x128x128xf32, #tpu.memory_space<vmem>>
        %dma_start3A_268 = tpu.memref_squeeze %dma_start3A_267 : memref<1x128x128xf32, #tpu.memory_space<vmem>> -> memref<128x128xf32, #tpu.memory_space<vmem>>
        %dma_start3A_269 = arith.constant 0 : i32
        %dma_start3A_270 = tpu.memref_slice %arg5[%add3A_263, %dma_start3A_269] : memref<200x128xi32, #tpu.memory_space<vmem>> -> memref<1x128xi32, #tpu.memory_space<vmem>>
        %dma_start3A_271 = tpu.memref_squeeze %dma_start3A_270 : memref<1x128xi32, #tpu.memory_space<vmem>> -> memref<128xi32, #tpu.memory_space<vmem>>
        %dma_start3A_272 = arith.constant 0 : i32
        %dma_start3A_273 = arith.constant 0 : i32
        %dma_start3A_274 = tpu.memref_slice %arg3[%dma_start3A_272, %dma_start3A_273] : memref<100000x128xf32, #tpu.memory_space<hbm>> -> memref<100000x128xf32, #tpu.memory_space<hbm>>
        tpu.enqueue_indirect_dma source(%dma_start3A_274 : memref<100000x128xf32, #tpu.memory_space<hbm>>) target(%dma_start3A_268 : memref<128x128xf32, #tpu.memory_space<vmem>>) offsets(%dma_start3A_271 : memref<128xi32, #tpu.memory_space<vmem>>) semaphore(%arg8 : memref<!tpu.dma_semaphore, #tpu.memory_space<semaphore_mem>>)
      } else {
      }
      %add3A_214 = arith.constant 3 : i32
      %add3A_215 = arith.addi %mul3A_73, %add3A_214 : i32
      %ge3A_216 = arith.constant 2 : i32
      %ge3A_217 = arith.cmpi sge, %add3A_215, %ge3A_216 : i32
      %convert_element_type3A_218 = arith.extui %ge3A_217 : i1 to i32
      %cond3A_219 = arith.constant 0 : i32
      %cond3A_220 = arith.cmpi ne, %convert_element_type3A_218, %cond3A_219 : i32
      scf.if %cond3A_220 {
        %dma_wait3A_262 = arith.constant 1 : i32
        %dma_wait3A_263 = arith.constant 0 : i32
        %dma_wait3A_264 = tpu.memref_slice %arg4[%mul3A_2, %dma_wait3A_263] : memref<819200x128xf32, #tpu.memory_space<hbm>> -> memref<128x128xf32, #tpu.memory_space<hbm>>
        %dma_wait3A_265 = arith.constant 0 : i32
        %dma_wait3A_266 = arith.constant 0 : i32
        %dma_wait3A_267 = tpu.memref_slice %arg7[%arg1, %dma_wait3A_262, %dma_wait3A_265, %dma_wait3A_266] : memref<16x2x128x128xf32, #tpu.memory_space<vmem_shared>> -> memref<1x1x128x128xf32, #tpu.memory_space<vmem_shared>>
        %dma_wait3A_268 = tpu.memref_squeeze %dma_wait3A_267 : memref<1x1x128x128xf32, #tpu.memory_space<vmem_shared>> -> memref<128x128xf32, #tpu.memory_space<vmem_shared>>
        tpu.wait_dma2 semaphore(%arg17 : memref<!tpu.dma_semaphore, #tpu.memory_space<semaphore_mem>>) src(%dma_wait3A_268 : memref<128x128xf32, #tpu.memory_space<vmem_shared>>) dst(%dma_wait3A_264 : memref<128x128xf32, #tpu.memory_space<hbm>>)
      } else {
      }
      %dma_wait3A_221 = arith.constant 3 : i32
      %dma_wait3A_222 = arith.constant 0 : i32
      %dma_wait3A_223 = arith.constant 0 : i32
      %dma_wait3A_224 = tpu.memref_slice %arg6[%dma_wait3A_221, %dma_wait3A_222, %dma_wait3A_223] : memref<4x128x128xf32, #tpu.memory_space<vmem>> -> memref<1x128x128xf32, #tpu.memory_space<vmem>>
      %dma_wait3A_225 = tpu.memref_squeeze %dma_wait3A_224 : memref<1x128x128xf32, #tpu.memory_space<vmem>> -> memref<128x128xf32, #tpu.memory_space<vmem>>
      %dma_wait3A_226 = arith.constant 0 : i32
      %dma_wait3A_227 = tpu.memref_slice %arg5[%add3A_215, %dma_wait3A_226] : memref<200x128xi32, #tpu.memory_space<vmem>> -> memref<1x128xi32, #tpu.memory_space<vmem>>
      %dma_wait3A_228 = tpu.memref_squeeze %dma_wait3A_227 : memref<1x128xi32, #tpu.memory_space<vmem>> -> memref<128xi32, #tpu.memory_space<vmem>>
      %dma_wait3A_229 = arith.constant 0 : i32
      %dma_wait3A_230 = arith.constant 0 : i32
      %dma_wait3A_231 = tpu.memref_slice %arg3[%dma_wait3A_229, %dma_wait3A_230] : memref<100000x128xf32, #tpu.memory_space<hbm>> -> memref<100000x128xf32, #tpu.memory_space<hbm>>
      tpu.wait_indirect_dma semaphore(%arg11 : memref<!tpu.dma_semaphore, #tpu.memory_space<semaphore_mem>>) src(%dma_wait3A_231 : memref<100000x128xf32, #tpu.memory_space<hbm>>) dst(%dma_wait3A_225 : memref<128x128xf32, #tpu.memory_space<vmem>>)
      %dma_start3A_232 = arith.constant 3 : i32
      %dma_start3A_233 = arith.constant 1 : i32
      %dma_start3A_234 = arith.constant 0 : i32
      %dma_start3A_235 = arith.constant 0 : i32
      %dma_start3A_236 = tpu.memref_slice %arg6[%dma_start3A_232, %dma_start3A_234, %dma_start3A_235] : memref<4x128x128xf32, #tpu.memory_space<vmem>> -> memref<1x128x128xf32, #tpu.memory_space<vmem>>
      %dma_start3A_237 = tpu.memref_squeeze %dma_start3A_236 : memref<1x128x128xf32, #tpu.memory_space<vmem>> -> memref<128x128xf32, #tpu.memory_space<vmem>>
      %dma_start3A_238 = arith.constant 0 : i32
      %dma_start3A_239 = arith.constant 0 : i32
      %dma_start3A_240 = tpu.memref_slice %arg7[%arg1, %dma_start3A_233, %dma_start3A_238, %dma_start3A_239] : memref<16x2x128x128xf32, #tpu.memory_space<vmem_shared>> -> memref<1x1x128x128xf32, #tpu.memory_space<vmem_shared>>
      %dma_start3A_241 = tpu.memref_squeeze %dma_start3A_240 : memref<1x1x128x128xf32, #tpu.memory_space<vmem_shared>> -> memref<128x128xf32, #tpu.memory_space<vmem_shared>>
      %dma_start3A_242 = arith.constant 0 : i32
      %dma_start3A_243 = arith.constant 0 : i32
      %dma_start3A_244 = tpu.memref_slice %arg7[%arg1, %dma_start3A_233, %dma_start3A_242, %dma_start3A_243] : memref<16x2x128x128xf32, #tpu.memory_space<vmem_shared>> -> memref<1x1x128x128xf32, #tpu.memory_space<vmem_shared>>
      %dma_start3A_245 = tpu.memref_squeeze %dma_start3A_244 : memref<1x1x128x128xf32, #tpu.memory_space<vmem_shared>> -> memref<128x128xf32, #tpu.memory_space<vmem_shared>>
      %dma_start3A_246 = arith.constant 0 : i32
      %dma_start3A_247 = arith.constant 0 : i32
      %dma_start3A_248 = tpu.memref_slice %arg6[%dma_start3A_232, %dma_start3A_246, %dma_start3A_247] : memref<4x128x128xf32, #tpu.memory_space<vmem>> -> memref<1x128x128xf32, #tpu.memory_space<vmem>>
      %dma_start3A_249 = tpu.memref_squeeze %dma_start3A_248 : memref<1x128x128xf32, #tpu.memory_space<vmem>> -> memref<128x128xf32, #tpu.memory_space<vmem>>
      tpu.enqueue_dma source(%dma_start3A_249 : memref<128x128xf32, #tpu.memory_space<vmem>>) target(%dma_start3A_245 : memref<128x128xf32, #tpu.memory_space<vmem_shared>>) target_semaphore(%arg15 : memref<!tpu.dma_semaphore, #tpu.memory_space<semaphore_mem>>)
      %ge3A_250 = arith.constant 1 : i32
      %ge3A_251 = arith.cmpi sge, %add3A_215, %ge3A_250 : i32
      %convert_element_type3A_252 = arith.extui %ge3A_251 : i1 to i32
      %cond3A_253 = arith.constant 0 : i32
      %cond3A_254 = arith.cmpi ne, %convert_element_type3A_252, %cond3A_253 : i32
      scf.if %cond3A_254 {
        %dma_wait3A_262 = arith.constant 2 : i32
        %dma_wait3A_263 = arith.constant 0 : i32
        %dma_wait3A_264 = arith.constant 0 : i32
        %dma_wait3A_265 = arith.constant 0 : i32
        %dma_wait3A_266 = tpu.memref_slice %arg6[%dma_wait3A_262, %dma_wait3A_264, %dma_wait3A_265] : memref<4x128x128xf32, #tpu.memory_space<vmem>> -> memref<1x128x128xf32, #tpu.memory_space<vmem>>
        %dma_wait3A_267 = tpu.memref_squeeze %dma_wait3A_266 : memref<1x128x128xf32, #tpu.memory_space<vmem>> -> memref<128x128xf32, #tpu.memory_space<vmem>>
        %dma_wait3A_268 = arith.constant 0 : i32
        %dma_wait3A_269 = arith.constant 0 : i32
        %dma_wait3A_270 = tpu.memref_slice %arg7[%arg1, %dma_wait3A_263, %dma_wait3A_268, %dma_wait3A_269] : memref<16x2x128x128xf32, #tpu.memory_space<vmem_shared>> -> memref<1x1x128x128xf32, #tpu.memory_space<vmem_shared>>
        %dma_wait3A_271 = tpu.memref_squeeze %dma_wait3A_270 : memref<1x1x128x128xf32, #tpu.memory_space<vmem_shared>> -> memref<128x128xf32, #tpu.memory_space<vmem_shared>>
        %dma_wait3A_272 = arith.constant 0 : i32
        %dma_wait3A_273 = arith.constant 0 : i32
        %dma_wait3A_274 = tpu.memref_slice %arg7[%arg1, %dma_wait3A_263, %dma_wait3A_272, %dma_wait3A_273] : memref<16x2x128x128xf32, #tpu.memory_space<vmem_shared>> -> memref<1x1x128x128xf32, #tpu.memory_space<vmem_shared>>
        %dma_wait3A_275 = tpu.memref_squeeze %dma_wait3A_274 : memref<1x1x128x128xf32, #tpu.memory_space<vmem_shared>> -> memref<128x128xf32, #tpu.memory_space<vmem_shared>>
        %dma_wait3A_276 = arith.constant 0 : i32
        %dma_wait3A_277 = arith.constant 0 : i32
        %dma_wait3A_278 = tpu.memref_slice %arg6[%dma_wait3A_262, %dma_wait3A_276, %dma_wait3A_277] : memref<4x128x128xf32, #tpu.memory_space<vmem>> -> memref<1x128x128xf32, #tpu.memory_space<vmem>>
        %dma_wait3A_279 = tpu.memref_squeeze %dma_wait3A_278 : memref<1x128x128xf32, #tpu.memory_space<vmem>> -> memref<128x128xf32, #tpu.memory_space<vmem>>
        tpu.wait_dma2 semaphore(%arg14 : memref<!tpu.dma_semaphore, #tpu.memory_space<semaphore_mem>>) src(%dma_wait3A_279 : memref<128x128xf32, #tpu.memory_space<vmem>>) dst(%dma_wait3A_275 : memref<128x128xf32, #tpu.memory_space<vmem_shared>>)
        %sub3A = arith.constant 1 : i32
        %sub3A_280 = arith.subi %add3A_215, %sub3A : i32
        %mul3A_281 = arith.constant 128 : i32
        %mul3A_282 = arith.muli %sub3A_280, %mul3A_281 : i32
        %add3A_283 = arith.addi %mul3A_2, %mul3A_282 : i32
        %dma_start3A_284 = arith.constant 0 : i32
        %dma_start3A_285 = arith.constant 0 : i32
        %dma_start3A_286 = tpu.memref_slice %arg4[%add3A_283, %dma_start3A_285] : memref<819200x128xf32, #tpu.memory_space<hbm>> -> memref<128x128xf32, #tpu.memory_space<hbm>>
        %dma_start3A_287 = arith.constant 0 : i32
        %dma_start3A_288 = arith.constant 0 : i32
        %dma_start3A_289 = tpu.memref_slice %arg7[%arg1, %dma_start3A_284, %dma_start3A_287, %dma_start3A_288] : memref<16x2x128x128xf32, #tpu.memory_space<vmem_shared>> -> memref<1x1x128x128xf32, #tpu.memory_space<vmem_shared>>
        %dma_start3A_290 = tpu.memref_squeeze %dma_start3A_289 : memref<1x1x128x128xf32, #tpu.memory_space<vmem_shared>> -> memref<128x128xf32, #tpu.memory_space<vmem_shared>>
        tpu.enqueue_dma source(%dma_start3A_290 : memref<128x128xf32, #tpu.memory_space<vmem_shared>>) target(%dma_start3A_286 : memref<128x128xf32, #tpu.memory_space<hbm>>) target_semaphore(%arg16 : memref<!tpu.dma_semaphore, #tpu.memory_space<semaphore_mem>>)
      } else {
      }
      %add3A_255 = arith.constant 2 : i32
      %add3A_256 = arith.addi %add3A_215, %add3A_255 : i32
      %lt3A_257 = arith.constant 200 : i32
      %lt3A_258 = arith.cmpi slt, %add3A_256, %lt3A_257 : i32
      %convert_element_type3A_259 = arith.extui %lt3A_258 : i1 to i32
      %cond3A_260 = arith.constant 0 : i32
      %cond3A_261 = arith.cmpi ne, %convert_element_type3A_259, %cond3A_260 : i32
      scf.if %cond3A_261 {
        %add3A_262 = arith.constant 2 : i32
        %add3A_263 = arith.addi %add3A_215, %add3A_262 : i32
        %dma_start3A_264 = arith.constant 1 : i32
        %dma_start3A_265 = arith.constant 0 : i32
        %dma_start3A_266 = arith.constant 0 : i32
        %dma_start3A_267 = tpu.memref_slice %arg6[%dma_start3A_264, %dma_start3A_265, %dma_start3A_266] : memref<4x128x128xf32, #tpu.memory_space<vmem>> -> memref<1x128x128xf32, #tpu.memory_space<vmem>>
        %dma_start3A_268 = tpu.memref_squeeze %dma_start3A_267 : memref<1x128x128xf32, #tpu.memory_space<vmem>> -> memref<128x128xf32, #tpu.memory_space<vmem>>
        %dma_start3A_269 = arith.constant 0 : i32
        %dma_start3A_270 = tpu.memref_slice %arg5[%add3A_263, %dma_start3A_269] : memref<200x128xi32, #tpu.memory_space<vmem>> -> memref<1x128xi32, #tpu.memory_space<vmem>>
        %dma_start3A_271 = tpu.memref_squeeze %dma_start3A_270 : memref<1x128xi32, #tpu.memory_space<vmem>> -> memref<128xi32, #tpu.memory_space<vmem>>
        %dma_start3A_272 = arith.constant 0 : i32
        %dma_start3A_273 = arith.constant 0 : i32
        %dma_start3A_274 = tpu.memref_slice %arg3[%dma_start3A_272, %dma_start3A_273] : memref<100000x128xf32, #tpu.memory_space<hbm>> -> memref<100000x128xf32, #tpu.memory_space<hbm>>
        tpu.enqueue_indirect_dma source(%dma_start3A_274 : memref<100000x128xf32, #tpu.memory_space<hbm>>) target(%dma_start3A_268 : memref<128x128xf32, #tpu.memory_space<vmem>>) offsets(%dma_start3A_271 : memref<128xi32, #tpu.memory_space<vmem>>) semaphore(%arg9 : memref<!tpu.dma_semaphore, #tpu.memory_space<semaphore_mem>>)
      } else {
      }
    }
    %scan3A_30 = arith.constant 50 : i32
    %dma_wait3A = arith.constant 3 : i32
    %dma_wait3A_31 = arith.constant 1 : i32
    %dma_wait3A_32 = arith.constant 0 : i32
    %dma_wait3A_33 = arith.constant 0 : i32
    %dma_wait3A_34 = tpu.memref_slice %arg6[%dma_wait3A, %dma_wait3A_32, %dma_wait3A_33] : memref<4x128x128xf32, #tpu.memory_space<vmem>> -> memref<1x128x128xf32, #tpu.memory_space<vmem>>
    %dma_wait3A_35 = tpu.memref_squeeze %dma_wait3A_34 : memref<1x128x128xf32, #tpu.memory_space<vmem>> -> memref<128x128xf32, #tpu.memory_space<vmem>>
    %dma_wait3A_36 = arith.constant 0 : i32
    %dma_wait3A_37 = arith.constant 0 : i32
    %dma_wait3A_38 = tpu.memref_slice %arg7[%arg1, %dma_wait3A_31, %dma_wait3A_36, %dma_wait3A_37] : memref<16x2x128x128xf32, #tpu.memory_space<vmem_shared>> -> memref<1x1x128x128xf32, #tpu.memory_space<vmem_shared>>
    %dma_wait3A_39 = tpu.memref_squeeze %dma_wait3A_38 : memref<1x1x128x128xf32, #tpu.memory_space<vmem_shared>> -> memref<128x128xf32, #tpu.memory_space<vmem_shared>>
    %dma_wait3A_40 = arith.constant 0 : i32
    %dma_wait3A_41 = arith.constant 0 : i32
    %dma_wait3A_42 = tpu.memref_slice %arg7[%arg1, %dma_wait3A_31, %dma_wait3A_40, %dma_wait3A_41] : memref<16x2x128x128xf32, #tpu.memory_space<vmem_shared>> -> memref<1x1x128x128xf32, #tpu.memory_space<vmem_shared>>
    %dma_wait3A_43 = tpu.memref_squeeze %dma_wait3A_42 : memref<1x1x128x128xf32, #tpu.memory_space<vmem_shared>> -> memref<128x128xf32, #tpu.memory_space<vmem_shared>>
    %dma_wait3A_44 = arith.constant 0 : i32
    %dma_wait3A_45 = arith.constant 0 : i32
    %dma_wait3A_46 = tpu.memref_slice %arg6[%dma_wait3A, %dma_wait3A_44, %dma_wait3A_45] : memref<4x128x128xf32, #tpu.memory_space<vmem>> -> memref<1x128x128xf32, #tpu.memory_space<vmem>>
    %dma_wait3A_47 = tpu.memref_squeeze %dma_wait3A_46 : memref<1x128x128xf32, #tpu.memory_space<vmem>> -> memref<128x128xf32, #tpu.memory_space<vmem>>
    tpu.wait_dma2 semaphore(%arg15 : memref<!tpu.dma_semaphore, #tpu.memory_space<semaphore_mem>>) src(%dma_wait3A_47 : memref<128x128xf32, #tpu.memory_space<vmem>>) dst(%dma_wait3A_43 : memref<128x128xf32, #tpu.memory_space<vmem_shared>>)
    %add3A_48 = arith.constant 25472 : i32
    %add3A_49 = arith.addi %mul3A_2, %add3A_48 : i32
    %dma_start3A_50 = arith.constant 1 : i32
    %dma_start3A_51 = arith.constant 0 : i32
    %dma_start3A_52 = tpu.memref_slice %arg4[%add3A_49, %dma_start3A_51] : memref<819200x128xf32, #tpu.memory_space<hbm>> -> memref<128x128xf32, #tpu.memory_space<hbm>>
    %dma_start3A_53 = arith.constant 0 : i32
    %dma_start3A_54 = arith.constant 0 : i32
    %dma_start3A_55 = tpu.memref_slice %arg7[%arg1, %dma_start3A_50, %dma_start3A_53, %dma_start3A_54] : memref<16x2x128x128xf32, #tpu.memory_space<vmem_shared>> -> memref<1x1x128x128xf32, #tpu.memory_space<vmem_shared>>
    %dma_start3A_56 = tpu.memref_squeeze %dma_start3A_55 : memref<1x1x128x128xf32, #tpu.memory_space<vmem_shared>> -> memref<128x128xf32, #tpu.memory_space<vmem_shared>>
    tpu.enqueue_dma source(%dma_start3A_56 : memref<128x128xf32, #tpu.memory_space<vmem_shared>>) target(%dma_start3A_52 : memref<128x128xf32, #tpu.memory_space<hbm>>) target_semaphore(%arg17 : memref<!tpu.dma_semaphore, #tpu.memory_space<semaphore_mem>>)
    %dma_wait3A_57 = arith.constant 0 : i32
    %dma_wait3A_58 = arith.constant 0 : i32
    %dma_wait3A_59 = tpu.memref_slice %arg4[%mul3A_2, %dma_wait3A_58] : memref<819200x128xf32, #tpu.memory_space<hbm>> -> memref<128x128xf32, #tpu.memory_space<hbm>>
    %dma_wait3A_60 = arith.constant 0 : i32
    %dma_wait3A_61 = arith.constant 0 : i32
    %dma_wait3A_62 = tpu.memref_slice %arg7[%arg1, %dma_wait3A_57, %dma_wait3A_60, %dma_wait3A_61] : memref<16x2x128x128xf32, #tpu.memory_space<vmem_shared>> -> memref<1x1x128x128xf32, #tpu.memory_space<vmem_shared>>
    %dma_wait3A_63 = tpu.memref_squeeze %dma_wait3A_62 : memref<1x1x128x128xf32, #tpu.memory_space<vmem_shared>> -> memref<128x128xf32, #tpu.memory_space<vmem_shared>>
    tpu.wait_dma2 semaphore(%arg16 : memref<!tpu.dma_semaphore, #tpu.memory_space<semaphore_mem>>) src(%dma_wait3A_63 : memref<128x128xf32, #tpu.memory_space<vmem_shared>>) dst(%dma_wait3A_59 : memref<128x128xf32, #tpu.memory_space<hbm>>)
    %dma_wait3A_64 = arith.constant 1 : i32
    %dma_wait3A_65 = arith.constant 0 : i32
    %dma_wait3A_66 = tpu.memref_slice %arg4[%mul3A_2, %dma_wait3A_65] : memref<819200x128xf32, #tpu.memory_space<hbm>> -> memref<128x128xf32, #tpu.memory_space<hbm>>
    %dma_wait3A_67 = arith.constant 0 : i32
    %dma_wait3A_68 = arith.constant 0 : i32
    %dma_wait3A_69 = tpu.memref_slice %arg7[%arg1, %dma_wait3A_64, %dma_wait3A_67, %dma_wait3A_68] : memref<16x2x128x128xf32, #tpu.memory_space<vmem_shared>> -> memref<1x1x128x128xf32, #tpu.memory_space<vmem_shared>>
    %dma_wait3A_70 = tpu.memref_squeeze %dma_wait3A_69 : memref<1x1x128x128xf32, #tpu.memory_space<vmem_shared>> -> memref<128x128xf32, #tpu.memory_space<vmem_shared>>
    tpu.wait_dma2 semaphore(%arg17 : memref<!tpu.dma_semaphore, #tpu.memory_space<semaphore_mem>>) src(%dma_wait3A_70 : memref<128x128xf32, #tpu.memory_space<vmem_shared>>) dst(%dma_wait3A_66 : memref<128x128xf32, #tpu.memory_space<hbm>>)
    return
  }
}

</mosaic_0001>

<sc_bundles>
// kernel: kernel.3.cloned.1.call-start
scs
__scs_entry_jumppad:
0x0: {  	(pc) =	sbr.rel $0x88, $3  }
0x1: {  	(tag) =	ssettag $0x0;
	lr =	simm.s32 $0x1  }
0x2: {  	[smem:$0x3F9F] =	sst lr;
	_ =	strace $0xD0000000  }
0x3: {  	_ = 	snop  }
0x4: {  	_ = 	snop  }
0x5: {  	_ = 	snop  }
0x6: {  	_ = 	snop  }
0x7: {  	_ = 	snop  }
__scs_overlays_trampoline_lowered:
0x8: {  	[smem:$0x3FAE] =	sst s0  }
0x9: {  	[smem:$0x3FAF] =	sst s1  }
0xa: {  	[smem:$0x3FB0] =	sst s2  }
0xb: {  	[smem:$0x3FB1] =	sst s3  }
0xc: {  	[smem:$0x3FB2] =	sst s4  }
0xd: {  	[smem:$0x3FB3] =	sst s5  }
0xe: {  	[smem:$0x3FB4] =	sst s6  }
0xf: {  	[smem:$0x3FB5] =	sst s7  }
0x10: {  	[smem:$0x3FB6] =	sst s8  }
0x11: {  	[smem:$0x3FB7] =	sst s9;
	s0 =	simm.s32 @!p0 $0x0  }
0x12: {  	s1 =	sld [smem:$0x3F9D];
	s0 =	simm.s32 @p0 $0x1  }
0x13: {  	[smem:$0x3FB8] =	sst s0;
	s0 =	simm.s32 @!p1 $0x0  }
0x14: {  	s2 =	sld [smem:$0x3F9C];
	s0 =	simm.s32 @p1 $0x1  }
0x15: {  	[smem:$0x3FB9] =	sst s0;
	s0 =	simm.s32 @!p2 $0x0  }
0x16: {  	s3 =	sld [smem:$0x3FDB];
	s0 =	simm.s32 @p2 $0x1  }
0x17: {  	s4 =	simm.s32 $0x1BF5;
	[smem:$0x3FBB] =	sst s0  }
0x18: {  	s0 =	sld [smem:$0x3F9E];
	_ =	swait.ge [sflag:s4], $0x0  }
0x19: {  	s7 =	sld [smem:$0x3F9F]  }
0x1a: {  	s8 =	sadd.s32 $0xFFFFE003, lr  }
0x1b: {  	s9 =	sadd.s32 $0xFFFFFEF7, lr;
	s5 =	simm.s32 $0xFFFFFFFF;
	p2 =	slt.u32 s8, $0xFFFFF086  }
0x1c: {  	p1 =	slt.u32 s9, $0xF7A;
	s5 =	simm.s32 @!p2 $0x0  }
0x1d: {  	s5 =	simm.s32 @p1 $0x1;
	p0 =	seq.s32 s7, s2  }
0x1e: {  	s7 =	smul.u32 @!p0 $0xF7A, s2;
	p2 =	seq.s32 @!p0 s5, $0x0  }
0x1f: {  	s9 =	smul.u32 $0xF7A, s1;
	s8 =	simm.s32 @!p0 $0x1BF5;
	p2 =	por !p2, p0  }
0x20: {  	[sflag:s8] =	ssyncset.s32 @!p0 $0xFFFFF086;
	s6 =	sadd.s32 @!p0 s3, s7;
	s7 =	simm.s32 @!p0 $0x108  }
0x21: {  	s3 =	sadd.s32 s3, s9;
	s6 =	sadd.s32 @!p0 $0x88, s6;
	s7 =	simm.s32 @p2 $0x1082  }
0x22: {  	[simem:s7], [sflag:s8] =	dma.local @!p0 [hbm:s6], $0xF7A  }
0x23: {  	s9 =	sor.u32 $0xD0000000, s2;
	s6 =	simm.s32 $0x108;
	_ =	swait.ge @!p0 [sflag:s8], $0x0  }
0x24: {  	s3 =	sadd.s32 $0x88, s3;
	s6 =	simm.s32 @!p1 $0x1082;
	[sflag:s4] =	ssyncset.s32 $0xFFFFF086  }
0x25: {  	[simem:s6], [sflag:s4] =	dma.local [hbm:s3], $0xF7A  }
0x26: {  	[smem:$0x3F9F] =	sst s1;
	(tag) =	ssettag s2;
	_ =	strace s9  }
0x27: {  	s1 =	sld [smem:$0x3FAF]  }
0x28: {  	s2 =	sld [smem:$0x3FB0]  }
0x29: {  	s4 =	sld [smem:$0x3FB2]  }
0x2a: {  	p0 =	seq.s32 s5, $0x0;
	s5 =	sld [smem:$0x3FB3]  }
0x2b: {  	s6 =	sld [smem:$0x3FB4]  }
0x2c: {  	s7 =	sld [smem:$0x3FB5]  }
0x2d: {  	s3 =	simm.s32 $0x108;
	s8 =	sld [smem:$0x3FB6]  }
0x2e: {  	s3 =	simm.s32 @!p0 $0x1082;
	s9 =	sld [smem:$0x3FB7]  }
0x2f: {  	lr =	sadd.s32 s0, s3;
	s0 =	sld [smem:$0x3FAE]  }
0x30: {  	s3 =	sld [smem:$0x3FB1]  }
0x31: {  	[smem:$0x3FBA] =	sst s10  }
0x32: {  	s10 =	sld [smem:$0x3FB8];
	_ =	sdelay $0x3  }
0x33: {  	p0 =	seq.s32 s10, $0x1;
	s10 =	sld [smem:$0x3FBA];
	_ =	sdelay $0x3  }
0x34: {  	[smem:$0x3FBA] =	sst s10  }
0x35: {  	s10 =	sld [smem:$0x3FB9];
	_ =	sdelay $0x3  }
0x36: {  	p1 =	seq.s32 s10, $0x1;
	s10 =	sld [smem:$0x3FBA];
	_ =	sdelay $0x3  }
0x37: {  	[smem:$0x3FBA] =	sst s10  }
0x38: {  	s10 =	sld [smem:$0x3FBB]  }
0x39: {  	_ = 	snop;
	(pc) =	sbr.ind lr, $3  }
0x3a: {  	_ = 	snop  }
0x3b: {  	_ = 	snop  }
0x3c: {  	p2 =	seq.s32 s10, $0x1;
	s10 =	sld [smem:$0x3FBA]  }
0x3d: {  	_ =	shalt  }
0x3e: {  	_ =	shalt  }
0x3f: {  	_ =	shalt  }
0x40: {  	_ =	shalt  }
0x41: {  	_ =	shalt  }
0x42: {  	_ =	shalt  }
0x43: {  	_ =	shalt  }
0x44: {  	_ =	shalt  }
0x45: {  	_ =	shalt  }
0x46: {  	_ =	shalt  }
0x47: {  	_ =	shalt  }
0x48: {  	_ =	shalt  }
0x49: {  	_ =	shalt  }
0x4a: {  	_ =	shalt  }
0x4b: {  	_ =	shalt  }
0x4c: {  	_ =	shalt  }
0x4d: {  	_ =	shalt  }
0x4e: {  	_ =	shalt  }
0x4f: {  	_ =	shalt  }
0x50: {  	_ =	shalt  }
0x51: {  	_ =	shalt  }
0x52: {  	_ =	shalt  }
0x53: {  	_ =	shalt  }
0x54: {  	_ =	shalt  }
0x55: {  	_ =	shalt  }
0x56: {  	_ =	shalt  }
0x57: {  	_ =	shalt  }
0x58: {  	_ =	shalt  }
0x59: {  	_ =	shalt  }
0x5a: {  	_ =	shalt  }
0x5b: {  	_ =	shalt  }
0x5c: {  	_ =	shalt  }
0x5d: {  	_ =	shalt  }
0x5e: {  	_ =	shalt  }
0x5f: {  	_ =	shalt  }
0x60: {  	_ =	shalt  }
0x61: {  	_ =	shalt  }
0x62: {  	_ =	shalt  }
0x63: {  	_ =	shalt  }
0x64: {  	_ =	shalt  }
0x65: {  	_ =	shalt  }
0x66: {  	_ =	shalt  }
0x67: {  	_ =	shalt  }
0x68: {  	_ =	shalt  }
0x69: {  	_ =	shalt  }
0x6a: {  	_ =	shalt  }
0x6b: {  	_ =	shalt  }
0x6c: {  	_ =	shalt  }
0x6d: {  	_ =	shalt  }
0x6e: {  	_ =	shalt  }
0x6f: {  	_ =	shalt  }
0x70: {  	_ =	shalt  }
0x71: {  	_ =	shalt  }
0x72: {  	_ =	shalt  }
0x73: {  	_ =	shalt  }
0x74: {  	_ =	shalt  }
0x75: {  	_ =	shalt  }
0x76: {  	_ =	shalt  }
0x77: {  	_ =	shalt  }
0x78: {  	_ =	shalt  }
0x79: {  	_ =	shalt  }
0x7a: {  	_ =	shalt  }
0x7b: {  	_ =	shalt  }
0x7c: {  	_ =	shalt  }
0x7d: {  	_ =	shalt  }
0x7e: {  	_ =	shalt  }
0x7f: {  	_ =	shalt  }
0x80: {  	_ =	shalt  }
0x81: {  	_ =	shalt  }
0x82: {  	_ =	shalt  }
0x83: {  	_ =	shalt  }
0x84: {  	_ =	shalt  }
0x85: {  	_ =	shalt  }
0x86: {  	_ =	shalt  }
0x87: {  	_ =	shalt  }
.Lfunc_end0:
.L_simem_size_0:
called_computation_lowered:
.L_overlay_start_0:
0x88: {  	s2 =	sld [smem:$0x3FD9]  }
0x89: {  	s3 =	sld [smem:$0x3FFE];
	_ =	sdelay $0x1  }
0x8a: {  	s1 =	srdreg.scid  }
0x8b: {  	s0 =	sand.u32 $0x1, s1  }
0x8c: {  	s17 =	sshll.u32 s0, $0xA;
	s2 =	sadd.s32 s3, s2  }
0x8d: {  	s2 =	sadd.s32 s2, s17  }
0x8e: {  	[smem:$0x3FC6] =	sst s2  }
0x8f: {  	_ = 	snop  }
0x90: {  	s2 =	sld [smem:$0x3FC8]  }
0x91: {  	s18 =	sld [smem:$0x3FD0];
	(tm) =	ssettm $0x1  }
0x92: {  	s4 =	sld [smem:$0x3FFB];
	_ =	sdelay $0x3  }
0x93: {  	_ =	strace s4  }
0x94: {  	s4 =	sld [smem:$0x3FFC];
	_ =	sdelay $0x3  }
0x95: {  	_ =	strace s4  }
0x96: {  	s4 =	sld [smem:$0x3FFD];
	_ =	sdelay $0x3  }
0x97: {  	_ =	strace s4  }
0x98: {  	_ =	strace $0x8FFFFFFF  }
0x99: {  	s19 =	sld [smem:$0x3FDB];
	_ =	sdelay $0x1  }
0x9a: {  	s5 =	simm.s32 $_scs_section_size  }
0x9b: {  	s6 =	simm.s32 $_size__tile_overlayer_lowered;
	s7 =	simm.s32 $_tile_overlayer_lowered  }
0x9c: {  	s22 =	simm.s32 $0x1BFF;
	s21 =	sshll.u32 s7, $0x1;
	s4 =	sadd.s32 s5, s19  }
0x9d: {  	s8 =	simm.s32 $0x0;
	s20 =	sshll.u32 s6, $0x1;
	s6 =	sadd.s32 s21, s4  }
0x9e: {  	[timem:s8], [sflag:s22] =	dma.local [hbm:s6], s20  }
0x9f: {  	_ =	swait.ge [sflag:s22], s20  }
0xa0: {  	s5 =	ssub.s32 $0x0, s20;
	[sflag:s22] =	ssyncset.done $0x0  }
0xa1: {  	[sflag:s22] =	ssyncadd.s32 s5;
	_ =	sdelay $0x1  }
0xa2: {  	s23 =	simm.s32 $0x1B8B  }
0xa3: {  	_ =	swait.ge [sflag:s23], $0x1  }
0xa4: {  	[sflag:s23] =	ssyncset.done $0x0  }
0xa5: {  	s25 =	simm.s32 $0x1B8E;
	s24 =	sld [smem:$0x3FFE];
	[sflag:s23] =	ssyncadd.s32 $0xFFFFFFFF  }
0xa6: {  	s26 =	simm.s32 $execute0_lowered;
	[smem:$0x3FD2] =	sst s25  }
0xa7: {  	s6 =	sshll.u32 s26, $0x1;
	_ =	strace $0x80000046;
	[dreg:$0x1] =	wrdreg $0xFFFFFFFF  }
0xa8: {  	s28 =	simm.s32 $_size_execute0_lowered;
	s4 =	sadd.s32 s4, s6;
	[dreg:$0x0] =	wrdreg $0x0  }
0xa9: {  	s6 =	sshll.u32 s28, $0x1;
	[dreg:$0x2] =	wrdreg s4  }
0xaa: {  	[dreg:$0x3] =	wrdreg s6  }
0xab: {  	[dreg:$0x4] =	wrdreg $0xC0  }
0xac: {  	_ =	task [dreg:s8], $0x5FFFF  }
0xad: {  	[dreg:$0x1] =	wrdreg $0xFFFFFFFF  }
0xae: {  	[dreg:$0x0] =	wrdreg $0x60  }
0xaf: {  	[dreg:$0x2] =	wrdreg s24  }
0xb0: {  	[dreg:$0x3] =	wrdreg s2  }
0xb1: {  	[dreg:$0x4] =	wrdreg s18  }
0xb2: {  	[dreg:$0x5] =	wrdreg $0x164000  }
0xb3: {  	[dreg:$0x6] =	wrdreg $0x9  }
0xb4: {  	_ =	task.clear_ibuf [dreg:s8], $0x7FFFF;
	_ =	strace $0x90000046  }
0xb5: {  	s29 =	simm.s32 $0x9;
	_ =	strace $0x80000048  }
0xb6: {  	_ =	swait.ge [sflag:s29], $0x1  }
0xb7: {  	[sflag:s29] =	ssyncadd.s32 $0xFFFFFFFF  }
0xb8: {  	_ =	strace $0x90000048  }
0xb9: {  	_ =	sfence  }
0xba: {  	s30 =	sld [smem:$0x0];
	_ =	sdelay $0x2  }
0xbb: {  	s31 =	sshll.u32 s1, $0xD;
	s1 =	sshrl.u32 s1, $0x2  }
0xbc: {  	s3 =	sand.u32 $0x4000, s31;
	s1 =	sadd.s32 s1, s30  }
0xbd: {  	s0 =	sor.u32 s3, s0;
	s1 =	sshll.u32 s1, $0x11  }
0xbe: {  	s0 =	sor.u32 s1, s0  }
0xbf: {  	s0 =	sadd.s32 $0x8F2B, s0  }
0xc0: {  	[sflag:s0] =	ssyncadd.remote.s32 $0x1  }
0xc1: {  	_ =	sfence.sel $0xFFFF  }
0xc2: {  	[dreg:$0x0] =	wrdreg $0xFFFFFFFF;
	(pc) =	sbr.abs _section_cstart, $3  }
0xc3: {  	[dreg:$0x1] =	wrdreg $0xFFFFFFFF  }
0xc4: {  	_ =	task.clear_ibuf [dreg:s8], $0x2FFFF;
	_ =	strace $0x9FFFFFFF  }
0xc5: {  	(tm) =	ssettm $0x7FFFFFFF  }
tec
execute0_lowered:
.L_overlay_start_1:
0x0: {  	(tag) =	ssettag $0x1  }
0x1: {  	s2 =	rddreg [dreg:$0x0]  }
0x2: {  	s1 =	rddreg [dreg:$0x1]  }
0x3: {  	s3 =	rddreg [dreg:$0x2]  }
0x4: {  	s4 =	srdreg.scid;
	s0 =	stileid.u32  }
0x5: {  	s6 =	rddreg [dreg:$0x3];
	s7 =	simm.s32 $0x0;
	s15 =	simm.s32 $0x80  }
0x6: {  	s17 =	simm.s32 $0xA400;
	s18 =	simm.s32 $0x2;
	s28 =	simm.s32 $0x6  }
0x7: {  	s29 =	simm.s32 $0xA;
	s30 =	simm.s32 $0x4;
	s31 =	simm.s32 $0x7  }
0x8: {  	s4 =	sand.u32 $0x1, s4;
	s5 =	sshll.u32 s0, $0x1;
	s20 =	smul.u32 $0xC8000, s0  }
0x9: {  	[smem:$0x7FF] =	sst s7;
	s21 =	sshll.u32 s0, $0xF;
	s11 =	smul.u32 $0x640000, s0  }
0xa: {  	s9 =	sor.u32 s4, s5;
	s19 =	ssub.s32 $0x2, s4;
	s12 =	smul.u32 $0x320000, s4  }
0xb: {  	_ =	strace $0x80000047;
	s4 =	smul.u32 $0x64000, s4;
	s8 =	sshrl.u32 s19, $0x1  }
0xc: {  	s7 =	sadd.s32 s21, s6;
	s5 =	smul.u32 $0xC80, s9;
	s10 =	ssub.s32 s19, s8  }
0xd: {  	s8 =	sadd.s32 $0x4000, s7;
	s25 =	sadd.s32 s12, s11;
	s11 =	smul.u32 $0x64000, s9  }
0xe: {  	s19 =	simm.s32 $0x5;
	s2 =	sadd.s32 s5, s2;
	s5 =	smul.u32 $0x320000, s9  }
0xf: {  	s24 =	smax.u32 s10, $0x1;
	s26 =	sshrl.u32 s25, $0x3;
	s25 =	simm.s32 $0x3  }
0x10: {  	s2 =	sadd.s32 $0x400, s2;
	[dreg:$0x7] =	wrdreg s24;
	s13 =	sadd.s32 s26, s3  }
.Ltmp0:
0x11: {  	s24 =	simm.s32 $0x9;
	[dreg:$0x5] =	wrdreg s2;
	(pc) =	sbr.rel .LBB2_1-.Ltmp0, $4  }
0x12: {  	s22 =	sshrl.u32 s5, $0x3;
	s2 =	sadd.s32 s20, s3;
	s20 =	sshll.u32 s0, $0x6  }
0x13: {  	s23 =	sadd.s32 s3, s22;
	s2 =	sadd.s32 s4, s2;
	s21 =	sor.u32 $0x1C09, s20  }
0x14: {  	s22 =	sshrl.u32 s7, $0x3;
	s6 =	sadd.s32 $0x63800, s23;
	s12 =	sadd.s32 $0xFFFFF800, s2  }
0x15: {  	s23 =	simm.s32 $0x12400;
	s2 =	simm.s32 $0x0;
	[dreg:$0x6] =	wrdreg s6  }
.LBB2_4:
0x16: {  	s0 =	simm.s32 $0x8  }
0x17: {  	_ =	swait.ge [sflag:s0], $0x4000  }
0x18: {  	[sflag:s0] =	ssyncset.done $0x0  }
0x19: {  	s10 =	rddreg [dreg:$0x6];
	[sflag:s0] =	ssyncadd.s32 $0xFFFFC000  }
0x1a: {  	[hbm:s10], [sflag:s14] =	dma.local [spmem:s2], $0x800  }
0x1b: {  	_ =	swait.ge [sflag:s24], $0x800  }
0x1c: {  	[sflag:s24] =	ssyncset.done $0x0  }
0x1d: {  	[sflag:s24] =	ssyncadd.s32 $0xFFFFF800  }
0x1e: {  	_ =	swait.ge [sflag:s29], $0x800  }
0x1f: {  	s16 =	rddreg [dreg:$0x8]  }
0x20: {  	s26 =	rddreg [dreg:$0x7];
	s2 =	sadd.s32 $0x1, s16  }
0x21: {  	p0 =	sne.s32 s2, s26  }
.Ltmp1:
0x22: {  	_ = 	snop;
	(pc) =	sbr.rel @!p0 .LBB2_5-.Ltmp1, $3  }
0x23: {  	_ =	sdelay $0x1  }
0x24: {  	[sflag:s29] =	ssyncset.done $0x0  }
0x25: {  	[sflag:s29] =	ssyncadd.s32 $0xFFFFF800  }
.LBB2_1:
0x26: {  	[dreg:$0x8] =	wrdreg s2  }
0x27: {  	s0 =	simm.s32 $0x0;
	s14 =	rddreg [dreg:$0x5];
	s16 =	simm.s32 $0xB  }
0x28: {  	[tilespmem:s0], [sflag:$0xB] =	stream.linear.gather [hbm4b:s14+s0], $0x6400, $0x38;
	[tilespmem:$0x1E400] =	vst v63  }
0x29: {  	_ =	swait.ge [sflag:s16], $0x6400  }
0x2a: {  	[sflag:s16] =	ssyncset.done $0x0  }
0x2b: {  	s26 =	simm.s32 $0x6400;
	[sflag:s16] =	ssyncadd.s32 $0xFFFF9C00  }
0x2c: {  	[tilespmem:s26], [sflag:$0x1] =	stream.indirect.gather [hbm4b:s1+s15], $0x80, s0, s15, $0xb8;
	[tilespmem:$0x1E400] =	vst v63  }
0x2d: {  	s4 =	simm.s32 $0x8000;
	s6 =	simm.s32 $0x0;
	s9 =	simm.s32 $0x0  }
0x2e: {  	[tilespmem:s17], [sflag:$0x2] =	stream.indirect.gather [hbm4b:s1+s15], $0x80, s15, s15, $0xb8;
	[tilespmem:$0x1E400] =	vst v63  }
.LBB2_2:
0x2f: {  	p0 =	seq.s32 s9, $0x0  }
0x30: {  	s2 =	simm.s32 @p0 $0x1  }
0x31: {  	_ =	swait.ge @p0 [sflag:s2], $0x4000  }
0x32: {  	[sflag:s2] =	ssyncset.done @p0 $0x0  }
0x33: {  	[sflag:s2] =	ssyncadd.s32 @p0 $0xFFFFC000;
	s2 =	simm.s32 @p0 $0x6400  }
0x34: {  	[spmem:s7] =	stream.linear.scatter @p0 [tilespmem:s2], [sflag:$0x5], $0x4000, $0x38;
	[tilespmem:$0x1E400] =	vst v63  }
0x35: {  	s10 =	simm.s32 @p0 $0x100;
	s14 =	simm.s32 @p0 $0xE400;
	s2 =	simm.s32 @p0 $0x80  }
0x36: {  	[tilespmem:s14], [sflag:$0x3] =	stream.indirect.gather @p0 [hbm4b:s1+s2], $0x80, s10, s2, $0xb8;
	[tilespmem:$0x1E400] =	vst v63  }
0x37: {  	s2 =	simm.s32 @!p0 $0x9  }
0x38: {  	_ =	swait.ge @!p0 [sflag:s2], $0x800  }
0x39: {  	[sflag:s2] =	ssyncset.done @!p0 $0x0  }
0x3a: {  	[sflag:s2] =	ssyncadd.s32 @!p0 $0xFFFFF800;
	s2 =	simm.s32 @!p0 $0x1  }
0x3b: {  	_ =	swait.ge @!p0 [sflag:s2], $0x4000  }
0x3c: {  	[sflag:s2] =	ssyncset.done @!p0 $0x0  }
0x3d: {  	[sflag:s2] =	ssyncadd.s32 @!p0 $0xFFFFC000;
	s2 =	simm.s32 @!p0 $0x6400  }
0x3e: {  	[spmem:s7] =	stream.linear.scatter @!p0 [tilespmem:s2], [sflag:$0x5], $0x4000, $0x38;
	[tilespmem:$0x1E400] =	vst v63  }
0x3f: {  	s2 =	simm.s32 @!p0 $0x8  }
0x40: {  	_ =	swait.ge @!p0 [sflag:s2], $0x4000  }
0x41: {  	s0 =	stileid.u32;
	[sflag:s2] =	ssyncset.done @!p0 $0x0  }
0x42: {  	[sflag:s2] =	ssyncadd.s32 @!p0 $0xFFFFC000;
	s2 =	sshll.u32 @!p0 s0, $0x6  }
0x43: {  	s10 =	sadd.s32 @!p0 s6, s12;
	s14 =	sshrl.u32 @!p0 s8, $0x3;
	s2 =	sor.u32 @!p0 $0x1C0A, s2  }
0x44: {  	[hbm:s10], [sflag:s2] =	dma.local @!p0 [spmem:s14], $0x800  }
0x45: {  	s2 =	sshra.s32 @!p0 s9, $0x2  }
0x46: {  	s10 =	simm.s32 @!p0 $0x80;
	s14 =	simm.s32 @!p0 $0xE400;
	s2 =	sadd.s32 @!p0 $0x100, s2  }
0x47: {  	[tilespmem:s14], [sflag:$0x3] =	stream.indirect.gather @!p0 [hbm4b:s1+s10], $0x80, s2, s10, $0xb8;
	[tilespmem:$0x1E400] =	vst v63  }
0x48: {  	s2 =	simm.s32 @!p0 $0xA  }
0x49: {  	_ =	swait.ge @!p0 [sflag:s2], $0x800  }
0x4a: {  	[sflag:s2] =	ssyncset.done @!p0 $0x0  }
0x4b: {  	[sflag:s2] =	ssyncadd.s32 @!p0 $0xFFFFF800  }
0x4c: {  	_ =	swait.ge [sflag:s18], $0x4000  }
0x4d: {  	[sflag:s18] =	ssyncset.done $0x0  }
0x4e: {  	[sflag:s18] =	ssyncadd.s32 $0xFFFFC000  }
0x4f: {  	[spmem:s8] =	stream.linear.scatter [tilespmem:s17], [sflag:$0x6], $0x4000, $0x38;
	[tilespmem:$0x1E400] =	vst v63  }
0x50: {  	_ =	swait.ge [sflag:s19], $0x4000  }
0x51: {  	s10 =	sshra.s32 s9, $0x2;
	[sflag:s19] =	ssyncset.done $0x0  }
0x52: {  	s14 =	sadd.s32 s6, s13;
	s16 =	sadd.s32 $0x180, s10;
	[sflag:s19] =	ssyncadd.s32 $0xFFFFC000  }
0x53: {  	[hbm:s14], [sflag:s21] =	dma.local [spmem:s22], $0x800  }
0x54: {  	[tilespmem:s23], [sflag:$0x4] =	stream.indirect.gather [hbm4b:s1+s15], $0x80, s16, s15, $0xb8;
	[tilespmem:$0x1E400] =	vst v63  }
0x55: {  	_ =	swait.ge [sflag:s24], $0x800  }
0x56: {  	[sflag:s24] =	ssyncset.done $0x0  }
0x57: {  	[sflag:s24] =	ssyncadd.s32 $0xFFFFF800  }
0x58: {  	_ =	swait.ge [sflag:s25], $0x4000  }
0x59: {  	s2 =	smov.u32 s6;
	[sflag:s25] =	ssyncset.done $0x0  }
0x5a: {  	s26 =	simm.s32 $0xE400;
	s2 =	simm.s32 @p0 $0x0;
	[sflag:s25] =	ssyncadd.s32 $0xFFFFC000  }
0x5b: {  	[spmem:s7] =	stream.linear.scatter [tilespmem:s26], [sflag:$0x7], $0x4000, $0x38;
	[tilespmem:$0x1E400] =	vst v63  }
0x5c: {  	p1 =	seq.s32 s9, $0x18800;
	s2 =	sadd.s32 s11, s2;
	_ =	swait.ge [sflag:s28], $0x4000  }
0x5d: {  	s2 =	sadd.s32 s3, s2;
	s14 =	sor.u32 $0x1C0A, s20;
	[sflag:s28] =	ssyncset.done $0x0  }
0x5e: {  	s16 =	sadd.s32 $0x800, s2;
	s2 =	sshrl.u32 s8, $0x3;
	[sflag:s28] =	ssyncadd.s32 $0xFFFFC000  }
0x5f: {  	[hbm:s16], [sflag:s14] =	dma.local [spmem:s2], $0x800  }
0x60: {  	s16 =	sshra.s32 @!p1 s9, $0x2  }
0x61: {  	s0 =	simm.s32 @!p1 $0x80;
	s26 =	simm.s32 @!p1 $0x6400;
	s16 =	sadd.s32 @!p1 $0x200, s16  }
0x62: {  	[tilespmem:s26], [sflag:$0x1] =	stream.indirect.gather @!p1 [hbm4b:s1+s0], $0x80, s16, s0, $0xb8;
	[tilespmem:$0x1E400] =	vst v63  }
0x63: {  	_ =	swait.ge [sflag:s29], $0x800  }
0x64: {  	[sflag:s29] =	ssyncset.done $0x0  }
0x65: {  	[sflag:s29] =	ssyncadd.s32 $0xFFFFF800  }
0x66: {  	_ =	swait.ge [sflag:s30], $0x4000  }
0x67: {  	[sflag:s30] =	ssyncset.done $0x0  }
0x68: {  	s0 =	smov.u32 s4;
	[sflag:s30] =	ssyncadd.s32 $0xFFFFC000  }
0x69: {  	[spmem:s8] =	stream.linear.scatter [tilespmem:s23], [sflag:$0x8], $0x4000, $0x38;
	[tilespmem:$0x1E400] =	vst v63  }
.Ltmp2:
0x6a: {  	s0 =	simm.s32 @p0 $0x8000;
	(pc) =	sbr.rel @p1 .LBB2_4-.Ltmp2, $4  }
0x6b: {  	s0 =	sadd.s32 s5, s0;
	_ =	swait.ge [sflag:s31], $0x4000  }
0x6c: {  	s0 =	sshrl.u32 s0, $0x3;
	[sflag:s31] =	ssyncset.done $0x0  }
0x6d: {  	s0 =	sadd.s32 s3, s0;
	[sflag:s31] =	ssyncadd.s32 $0xFFFFC000  }
0x6e: {  	[hbm:s0], [sflag:s21] =	dma.local [spmem:s22], $0x800  }
.Ltmp3:
0x6f: {  	(pc) =	sbr.rel .LBB2_2-.Ltmp3, $4  }
0x70: {  	_ = 	snop  }
0x71: {  	s0 =	sadd.s32 $0x280, s10  }
0x72: {  	s4 =	sadd.s32 $0x10000, s4;
	s9 =	sadd.s32 $0x800, s9;
	s6 =	sadd.s32 $0x2000, s6  }
0x73: {  	[tilespmem:s17], [sflag:$0x2] =	stream.indirect.gather [hbm4b:s1+s15], $0x80, s0, s15, $0xb8;
	[tilespmem:$0x1E400] =	vst v63  }
.LBB2_5:
0x74: {  	_ =	sfence.sel $0x180000  }
0x75: {  	[bflag:$0x0] =	sbarrier.arrive $0xFFFF  }
0x76: {  	_ =	strace $0x90000047  }
0x77: {  	s0 =	stileid.u32;
	[bflag:$0x2] =	sbarrier.arrive $0xFFFF  }
0x78: {  	p0 =	sne.s32 s0, $0x0;
	s0 =	rddreg [dreg:$0x4]  }
0x79: {  	s0 =	sadd.s32 @!p0 $0x100000, s0  }
0x7a: {  	[sflag:s0] =	ssyncadd.tile.s32 @!p0 $0x1;
	_ =	shalt  }
.Lfunc_end2:
_tile_overlayer_lowered:
.L_overlay_start_2:
0x7b: {  	(tag) =	ssettag $0x2  }
0x7c: {  	s0 =	rddreg [dreg:$0x0];
	s2 =	stileid.u32  }
0x7d: {  	s1 =	rddreg [dreg:$0x1];
	p0 =	sne.s32 s2, $0x0  }
0x7e: {  	s3 =	rddreg [dreg:$0x2];
	[bflag:$0x3] =	sbarrier.arrive $0xFFFF;
	s2 =	simm.s32 @!p0 $0x1C0B  }
0x7f: {  	[timem:s3], [sflag:s2] =	dma.local @!p0 [hbm:s0], s1  }
0x80: {  	s0 =	simm.s32 @!p0 $0xB  }
0x81: {  	_ =	swait.ge @!p0 [sflag:s0], s1  }
0x82: {  	s1 =	ssub.s32 @!p0 $0x0, s1;
	[sflag:s0] =	ssyncset.done @!p0 $0x0  }
0x83: {  	[sflag:s0] =	ssyncadd.s32 @!p0 s1  }
0x84: {  	[bflag:$0x3] =	sbarrier.arrive $0xFFFF  }
0x85: {  	_ =	shalt  }

</sc_bundles>
